<compile_context>
chip_gen: v7x
topology: tpu7x:2x2x1
jax: 0.10.2.dev20260603
libtpu: 0.0.44.dev20260713+nightly
codegen_flags: <defaults>
</compile_context>

<pallas_src>
import functools

import jax
import jax.numpy as jnp
from jax.experimental import pallas as pl
from jax.experimental.pallas import tpu as pltpu
from jax.experimental.pallas import tpu_sc as plsc

_SC_BATCHES = 1
_SC_CHUNK = 16
_TC_CH = 256
_TC_STREAMS = 4
_W1_CH = 256


def _sc_partial(x2d, split):
    n_rows, h = x2d.shape
    n_chunks = (n_rows - split) // _SC_CHUNK
    off = split // _SC_CHUNK
    mesh = plsc.VectorSubcoreMesh(core_axis_name="core",
                                  subcore_axis_name="subcore")

    @functools.partial(
        pl.kernel,
        out_type=jax.ShapeDtypeStruct((n_chunks, h), jnp.float32),
        mesh=mesh)
    def sc_kernel(x_hbm, o_hbm):
        def body(x_vmem, o_vmem):
            @pl.loop(0, h, step=16)
            def _(c):
                acc = x_vmem.at[0, pl.ds(c, 16)][...]
                for r in range(1, _SC_CHUNK):
                    acc = acc + x_vmem.at[r, pl.ds(c, 16)][...]
                o_vmem.at[0, pl.ds(c, 16)][...] = acc

        pltpu.emit_pipeline(
            body,
            grid=(n_chunks,),
            in_specs=[pl.BlockSpec((_SC_CHUNK, h), lambda i: (i + off, 0))],
            out_specs=[pl.BlockSpec((1, h), lambda i: (i, 0))],
            core_axis_name=("core", "subcore"),
            dimension_semantics=(pltpu.PARALLEL,),
        )(x_hbm, o_hbm)

    return sc_kernel(x2d)


def _tc_reduce_body(*refs, n_steps):
    xs = refs[:_TC_STREAMS]
    acc_ref = refs[_TC_STREAMS]
    i = pl.program_id(0)
    ones = jnp.ones((1, _TC_CH), jnp.float32)
    for s, x_ref in enumerate(xs):
        acc_ref[pl.ds(i + s * n_steps, 1), :] = jnp.dot(
            ones, x_ref[...], preferred_element_type=jnp.float32)


def _tc_reduce(x2d, split):
    h = x2d.shape[1]
    n_chunks = split // _TC_CH
    n_steps = n_chunks // _TC_STREAMS
    body = functools.partial(_tc_reduce_body, n_steps=n_steps)
    return pl.pallas_call(
        body,
        grid=(n_steps,),
        in_specs=[
            pl.BlockSpec((_TC_CH, h), functools.partial(
                lambda s, i: (i + s * n_steps, 0), s))
            for s in range(_TC_STREAMS)
        ],
        out_specs=pl.BlockSpec((n_chunks, h), lambda i: (0, 0)),
        out_shape=jax.ShapeDtypeStruct((n_chunks, h), jnp.float32),
    )(*([x2d] * _TC_STREAMS))


def _tc_mlp_body(head_ref, tail_ref, w1_hbm, b1_ref, w2_ref, b2_ref,
                 rw_ref, idx_ref, w1_vmem, w1_sems,
                 *, n_w1, b, n_sc_b, s_total):
    def w1_copy(j):
        return pltpu.make_async_copy(
            w1_hbm.at[pl.ds(j * _W1_CH, _W1_CH), :],
            w1_vmem.at[pl.ds(j * _W1_CH, _W1_CH), :],
            w1_sems.at[j])

    for j in range(n_w1):
        w1_copy(j).start()

    nh = head_ref.shape[0]
    nt = tail_ref.shape[0]
    h_per_b = nh // (b - n_sc_b)
    t_per_b = nt // n_sc_b
    inv_s = 1.0 / s_total

    rows = jax.lax.broadcasted_iota(jnp.int32, (b, nh), 0)
    cols = jax.lax.broadcasted_iota(jnp.int32, (b, nh), 1)
    sel_h = (cols // h_per_b == rows).astype(jnp.float32) * inv_s
    rows_t = jax.lax.broadcasted_iota(jnp.int32, (b, nt), 0)
    cols_t = jax.lax.broadcasted_iota(jnp.int32, (b, nt), 1)
    sel_t = (cols_t // t_per_b + (b - n_sc_b) == rows_t)
    sel_t = sel_t.astype(jnp.float32) * inv_s

    fv = (jnp.dot(sel_h, head_ref[...], preferred_element_type=jnp.float32)
          + jnp.dot(sel_t, tail_ref[...], preferred_element_type=jnp.float32))

    for j in range(n_w1):
        w1_copy(j).wait()

    h = jnp.dot(fv, w1_vmem[...], preferred_element_type=jnp.float32)
    h = jnp.maximum(h + b1_ref[...], 0.0)
    logits = jnp.dot(h, w2_ref[...], preferred_element_type=jnp.float32)
    logits = logits + b2_ref[...]
    m = jnp.max(logits, axis=-1, keepdims=True)
    e = jnp.exp(logits - m)
    w = e / jnp.sum(e, axis=-1, keepdims=True)
    rw_ref[...] = w
    ncols = w.shape[-1]
    ids = jax.lax.broadcasted_iota(jnp.int32, w.shape, 1)
    m1 = jnp.max(w, axis=-1, keepdims=True)
    i1 = jnp.min(jnp.where(w == m1, ids, ncols), axis=-1, keepdims=True)
    wm = jnp.where(ids == i1, -jnp.inf, w)
    m2 = jnp.max(wm, axis=-1, keepdims=True)
    i2 = jnp.min(jnp.where(wm == m2, ids, ncols), axis=-1, keepdims=True)
    col = jax.lax.broadcasted_iota(jnp.int32, idx_ref.shape, 1)
    idx_ref[...] = jnp.where(col == 0, i1, i2)


@jax.jit
def kernel(hidden_states, W1, b1, W2, b2):
    B, S, H = hidden_states.shape
    E = W2.shape[1]
    x2d = hidden_states.reshape(B * S, H)
    split = (B - _SC_BATCHES) * S
    n_w1 = H // _W1_CH

    sc_part = _sc_partial(x2d, split)
    head_part = _tc_reduce(x2d, split)

    b1r = b1.reshape(1, H)
    b2r = b2.reshape(1, E)

    body = functools.partial(
        _tc_mlp_body, n_w1=n_w1, b=B, n_sc_b=_SC_BATCHES, s_total=S)

    rw, idx = pl.pallas_call(
        body,
        grid=(1,),
        in_specs=[
            pl.BlockSpec(head_part.shape, lambda i: (0, 0)),
            pl.BlockSpec(sc_part.shape, lambda i: (0, 0)),
            pl.BlockSpec(memory_space=pl.ANY),
            pl.BlockSpec((1, H), lambda i: (0, 0)),
            pl.BlockSpec((H, E), lambda i: (0, 0)),
            pl.BlockSpec((1, E), lambda i: (0, 0)),
        ],
        out_specs=[
            pl.BlockSpec((B, E), lambda i: (0, 0)),
            pl.BlockSpec((B, 2), lambda i: (0, 0)),
        ],
        out_shape=[
            jax.ShapeDtypeStruct((B, E), jnp.float32),
            jax.ShapeDtypeStruct((B, 2), jnp.int32),
        ],
        scratch_shapes=[
            pltpu.VMEM((H, H), jnp.float32),
            pltpu.SemaphoreType.DMA((n_w1,)),
        ],
    )(head_part, sc_part, W1, b1r, W2, b2r)
    return rw, idx

# --- scband reference (transcript-rebuilt; emitter-appended) ---
"""Pipeline reference for scband-mo-erouter-37486474559584 (READ-ONLY COPY).

The authoritative reference and input builder live on the scoring server;
editing this copy changes nothing except your own understanding.
"""

import jax, jax.numpy as jnp
import numpy as np

B, S, H, E, TOP_K = 4, 2048, 2048, 16, 2

def setup_inputs(seed: int = 0) -> dict:
    key = jax.random.key(seed)
    k1, k2, k3, k4, k5 = jax.random.split(key, 5)
    hidden_states = jax.random.normal(k1, (B, S, H), dtype=jnp.float32)
    # router: Linear(H,H) -> ReLU -> Linear(H,E); kaiming-uniform-ish init like torch default
    lim1 = 1.0 / np.sqrt(H)
    W1 = jax.random.uniform(k2, (H, H), dtype=jnp.float32, minval=-lim1, maxval=lim1)
    b1 = jax.random.uniform(k3, (H,), dtype=jnp.float32, minval=-lim1, maxval=lim1)
    W2 = jax.random.uniform(k4, (H, E), dtype=jnp.float32, minval=-lim1, maxval=lim1)
    b2 = jax.random.uniform(k5, (E,), dtype=jnp.float32, minval=-lim1, maxval=lim1)
    return {"hidden_states": hidden_states, "W1": W1, "b1": b1, "W2": W2, "b2": b2}

def reference(hidden_states, W1, b1, W2, b2):
    # mean-pool over sequence dimension
    feature_vec = jnp.mean(hidden_states, axis=1)  # [B, H]
    h = jnp.maximum(feature_vec @ W1 + b1, 0.0)    # Linear + ReLU
    router_logits = h @ W2 + b2                    # [B, E]
    routing_weights = jax.nn.softmax(router_logits, axis=-1)
    scores, expert_indices = jax.lax.top_k(routing_weights, TOP_K)
    return routing_weights, expert_indices

if __name__ == "__main__":
    import jax
    _d = setup_inputs()
    print(jax.jit(kernel)(*tuple(_d.values())))

</pallas_src>

<mosaic_0001>
#map = affine_map<(d0, d1) -> (0, 0)>
module attributes {stable_mosaic.version = 14 : i64} {
  func.func @sc_kernel(%arg0: i32, %arg1: i32, %arg2: memref<8192x2048xf32, #tpu.memory_space<hbm>>, %arg3: memref<128x2048xf32, #tpu.memory_space<hbm>>) attributes {dimension_semantics = [#tpu.dimension_semantics<core_parallel>, #tpu.dimension_semantics<subcore_parallel>], iteration_bounds = array<i64: 2, 16>, scalar_prefetch = 0 : i64, scratch_operands = 0 : i64, tpu.core_type = #tpu.core_type<sc_vector_subcore>, window_params = [{transform_indices = #map}, {transform_indices = #map}]} {
    %mul3A = arith.constant 1 : i32
    %mul3A_0 = arith.muli %arg1, %mul3A : i32
    %add3A = arith.constant 0 : i32
    %add3A_1 = arith.addi %add3A, %mul3A_0 : i32
    %mul3A_2 = arith.constant 16 : i32
    %mul3A_3 = arith.muli %arg0, %mul3A_2 : i32
    %add3A_4 = arith.addi %add3A_1, %mul3A_3 : i32
    %mul3A_5 = arith.constant 4 : i32
    %mul3A_6 = arith.muli %add3A_4, %mul3A_5 : i32
    "tpu.region"() ({
      %run_scoped3A = memref.alloca() : memref<2x16x2048xf32, #tpu.memory_space<vmem>>
      %run_scoped3A_7 = tpu.sem_alloc : memref<2x!tpu.dma_semaphore, #tpu.memory_space<semaphore_mem>>
      %run_scoped3A_8 = memref.alloca() : memref<2x1x2048xf32, #tpu.memory_space<vmem>>
      %run_scoped3A_9 = tpu.sem_alloc : memref<2x!tpu.dma_semaphore, #tpu.memory_space<semaphore_mem>>
      %add3A_10 = arith.constant 0 : i32
      %add3A_11 = arith.addi %add3A_10, %mul3A_6 : i32
      %select_n3A = arith.constant true
      %select_n3A_12 = arith.constant 0 : i32
      %select_n3A_13 = arith.constant -1 : i32
      %select_n3A_14 = arith.select %select_n3A, %select_n3A_13, %select_n3A_12 : i32
      %eq3A = arith.constant -1 : i32
      %eq3A_15 = arith.cmpi eq, %select_n3A_14, %eq3A : i32
      %select_n3A_16 = arith.constant 3 : i32
      %select_n3A_17 = arith.select %eq3A_15, %select_n3A_16, %select_n3A_14 : i32
      %add3A_18 = arith.addi %select_n3A_17, %mul3A_6 : i32
      %select_n3A_19 = arith.constant true
      %select_n3A_20 = arith.constant 0 : i32
      %select_n3A_21 = arith.constant 1 : i32
      %select_n3A_22 = arith.select %select_n3A_19, %select_n3A_21, %select_n3A_20 : i32
      %eq3A_23 = arith.constant 4 : i32
      %eq3A_24 = arith.cmpi eq, %select_n3A_22, %eq3A_23 : i32
      %select_n3A_25 = arith.constant 0 : i32
      %select_n3A_26 = arith.select %eq3A_24, %select_n3A_25, %select_n3A_22 : i32
      %add3A_27 = arith.addi %select_n3A_26, %mul3A_6 : i32
      %add3A_28 = arith.constant 1 : i32
      %add3A_29 = arith.addi %select_n3A_26, %add3A_28 : i32
      %select_n3A_30 = arith.constant true
      %select_n3A_31 = arith.select %select_n3A_30, %add3A_29, %select_n3A_26 : i32
      %eq3A_32 = arith.constant 4 : i32
      %eq3A_33 = arith.cmpi eq, %select_n3A_31, %eq3A_32 : i32
      %select_n3A_34 = arith.constant 0 : i32
      %select_n3A_35 = arith.select %eq3A_33, %select_n3A_34, %select_n3A_31 : i32
      %add3A_36 = arith.addi %select_n3A_35, %mul3A_6 : i32
      "tpu.trace_start"() <{level = 10 : i32, message = "ep_initialize_0"}> : () -> ()
      %rem3A = arith.constant 0 : i32
      %rem3A_37 = arith.constant 2 : i32
      %rem3A_38 = arith.remui %rem3A, %rem3A_37 : i32
      %add3A_39 = arith.constant 384 : i32
      %add3A_40 = arith.addi %add3A_11, %add3A_39 : i32
      %mul3A_41 = arith.constant 16 : i32
      %mul3A_42 = arith.muli %mul3A_41, %add3A_40 : i32
      %dma_start3A = arith.constant 0 : i32
      %dma_start3A_43 = arith.constant 0 : i32
      %dma_start3A_44 = tpu.memref_slice %run_scoped3A[%rem3A_38, %dma_start3A, %dma_start3A_43] : memref<2x16x2048xf32, #tpu.memory_space<vmem>> -> memref<1x16x2048xf32, #tpu.memory_space<vmem>>
      %dma_start3A_45 = tpu.memref_squeeze %dma_start3A_44 : memref<1x16x2048xf32, #tpu.memory_space<vmem>> -> memref<16x2048xf32, #tpu.memory_space<vmem>>
      %dma_start3A_46 = arith.constant 0 : i32
      %dma_start3A_47 = tpu.memref_slice %arg2[%mul3A_42, %dma_start3A_46] : memref<8192x2048xf32, #tpu.memory_space<hbm>> -> memref<16x2048xf32, #tpu.memory_space<hbm>>
      %dma_start3A_48 = tpu.memref_slice %run_scoped3A_7[%rem3A_38] : memref<2x!tpu.dma_semaphore, #tpu.memory_space<semaphore_mem>> -> memref<1x!tpu.dma_semaphore, #tpu.memory_space<semaphore_mem>>
      %dma_start3A_49 = tpu.memref_squeeze %dma_start3A_48 : memref<1x!tpu.dma_semaphore, #tpu.memory_space<semaphore_mem>> -> memref<!tpu.dma_semaphore, #tpu.memory_space<semaphore_mem>>
      %dma_start3A_50 = arith.constant 0 : i32
      %dma_start3A_51 = arith.constant 0 : i32
      %dma_start3A_52 = tpu.memref_slice %run_scoped3A[%rem3A_38, %dma_start3A_50, %dma_start3A_51] : memref<2x16x2048xf32, #tpu.memory_space<vmem>> -> memref<1x16x2048xf32, #tpu.memory_space<vmem>>
      %dma_start3A_53 = tpu.memref_squeeze %dma_start3A_52 : memref<1x16x2048xf32, #tpu.memory_space<vmem>> -> memref<16x2048xf32, #tpu.memory_space<vmem>>
      %dma_start3A_54 = arith.constant 0 : i32
      %dma_start3A_55 = tpu.memref_slice %arg2[%mul3A_42, %dma_start3A_54] : memref<8192x2048xf32, #tpu.memory_space<hbm>> -> memref<16x2048xf32, #tpu.memory_space<hbm>>
      tpu.enqueue_dma source(%dma_start3A_55 : memref<16x2048xf32, #tpu.memory_space<hbm>>) target(%dma_start3A_53 : memref<16x2048xf32, #tpu.memory_space<vmem>>) target_semaphore(%dma_start3A_49 : memref<!tpu.dma_semaphore, #tpu.memory_space<semaphore_mem>>)
      %add3A_56 = arith.constant 0 : i32
      %add3A_57 = arith.constant 1 : i32
      %add3A_58 = arith.addi %add3A_56, %add3A_57 : i32
      %select_n3A_59 = arith.constant true
      %select_n3A_60 = arith.constant 0 : i32
      %select_n3A_61 = arith.select %select_n3A_59, %add3A_58, %select_n3A_60 : i32
      "tpu.trace_stop"() : () -> ()
      %scan3A = arith.constant 0 : i32
      %scan3A_62 = arith.constant 0 : i32
      %scan3A_63 = arith.constant 0 : i32
      %scan3A_64 = arith.constant 0 : i32
      %scan3A_65 = arith.constant 0 : i32
      %scan3A_66 = arith.constant 4 : i32
      %scan3A_67 = arith.addi %scan3A_65, %scan3A_66 : i32
      %scan3A_68 = arith.constant 1 : i32
      %scan3A_69:5 = scf.for %scan3A_123 = %scan3A_65 to %scan3A_67 step %scan3A_68 iter_args(%scan3A_124 = %select_n3A_61, %scan3A_125 = %scan3A, %scan3A_126 = %scan3A_62, %scan3A_127 = %scan3A_63, %scan3A_128 = %scan3A_64) -> (i32, i32, i32, i32, i32)  : i32 {
        %eq3A_129 = arith.constant 0 : i32
        %eq3A_130 = arith.cmpi eq, %scan3A_123, %eq3A_129 : i32
        %eq3A_131 = arith.constant 3 : i32
        %eq3A_132 = arith.cmpi eq, %scan3A_123, %eq3A_131 : i32
        %add3A_133 = arith.addi %scan3A_128, %mul3A_6 : i32
        %sub3A_134 = arith.constant 1 : i32
        %sub3A_135 = arith.subi %scan3A_128, %sub3A_134 : i32
        %select_n3A_136 = arith.constant true
        %select_n3A_137 = arith.select %select_n3A_136, %sub3A_135, %scan3A_128 : i32
        %eq3A_138 = arith.constant -1 : i32
        %eq3A_139 = arith.cmpi eq, %select_n3A_137, %eq3A_138 : i32
        %select_n3A_140 = arith.constant 3 : i32
        %select_n3A_141 = arith.select %eq3A_139, %select_n3A_140, %select_n3A_137 : i32
        %add3A_142 = arith.addi %select_n3A_141, %mul3A_6 : i32
        %add3A_143 = arith.constant 1 : i32
        %add3A_144 = arith.addi %scan3A_128, %add3A_143 : i32
        %select_n3A_145 = arith.constant true
        %select_n3A_146 = arith.select %select_n3A_145, %add3A_144, %scan3A_128 : i32
        %eq3A_147 = arith.constant 4 : i32
        %eq3A_148 = arith.cmpi eq, %select_n3A_146, %eq3A_147 : i32
        %select_n3A_149 = arith.constant 0 : i32
        %select_n3A_150 = arith.select %eq3A_148, %select_n3A_149, %select_n3A_146 : i32
        %add3A_151 = arith.addi %select_n3A_150, %mul3A_6 : i32
        %add3A_152 = arith.constant 1 : i32
        %add3A_153 = arith.addi %select_n3A_150, %add3A_152 : i32
        %select_n3A_154 = arith.constant true
        %select_n3A_155 = arith.select %select_n3A_154, %add3A_153, %select_n3A_150 : i32
        %eq3A_156 = arith.constant 4 : i32
        %eq3A_157 = arith.cmpi eq, %select_n3A_155, %eq3A_156 : i32
        %select_n3A_158 = arith.constant 0 : i32
        %select_n3A_159 = arith.select %eq3A_157, %select_n3A_158, %select_n3A_155 : i32
        %add3A_160 = arith.addi %select_n3A_159, %mul3A_6 : i32
        %add3A_161 = arith.constant 384 : i32
        %add3A_162 = arith.addi %add3A_133, %add3A_161 : i32
        %add3A_163 = arith.constant 384 : i32
        %add3A_164 = arith.addi %add3A_151, %add3A_163 : i32
        %ne3A = arith.cmpi ne, %add3A_162, %add3A_164 : i32
        %or3A = arith.constant false
        %or3A_165 = arith.ori %or3A, %ne3A : i1
        %or3A_166 = arith.constant false
        %or3A_167 = arith.ori %or3A_165, %or3A_166 : i1
        %ge3A = arith.constant 3 : i32
        %ge3A_168 = arith.cmpi sge, %scan3A_123, %ge3A : i32
        %not3A = arith.constant true
        %not3A_169 = arith.xori %ge3A_168, %not3A : i1
        %and3A = arith.andi %or3A_167, %not3A_169 : i1
        %convert_element_type3A = arith.extui %and3A : i1 to i32
        %cond3A = arith.constant 0 : i32
        %cond3A_170 = arith.cmpi ne, %convert_element_type3A, %cond3A : i32
        scf.if %cond3A_170 {
          "tpu.trace_start"() <{level = 10 : i32, message = "ep_copy_in"}> : () -> ()
          %rem3A_300 = arith.constant 2 : i32
          %rem3A_301 = arith.remui %scan3A_124, %rem3A_300 : i32
          %add3A_302 = arith.constant 384 : i32
          %add3A_303 = arith.addi %add3A_151, %add3A_302 : i32
          %mul3A_304 = arith.constant 16 : i32
          %mul3A_305 = arith.muli %mul3A_304, %add3A_303 : i32
          %dma_start3A_306 = arith.constant 0 : i32
          %dma_start3A_307 = arith.constant 0 : i32
          %dma_start3A_308 = tpu.memref_slice %run_scoped3A[%rem3A_301, %dma_start3A_306, %dma_start3A_307] : memref<2x16x2048xf32, #tpu.memory_space<vmem>> -> memref<1x16x2048xf32, #tpu.memory_space<vmem>>
          %dma_start3A_309 = tpu.memref_squeeze %dma_start3A_308 : memref<1x16x2048xf32, #tpu.memory_space<vmem>> -> memref<16x2048xf32, #tpu.memory_space<vmem>>
          %dma_start3A_310 = arith.constant 0 : i32
          %dma_start3A_311 = tpu.memref_slice %arg2[%mul3A_305, %dma_start3A_310] : memref<8192x2048xf32, #tpu.memory_space<hbm>> -> memref<16x2048xf32, #tpu.memory_space<hbm>>
          %dma_start3A_312 = tpu.memref_slice %run_scoped3A_7[%rem3A_301] : memref<2x!tpu.dma_semaphore, #tpu.memory_space<semaphore_mem>> -> memref<1x!tpu.dma_semaphore, #tpu.memory_space<semaphore_mem>>
          %dma_start3A_313 = tpu.memref_squeeze %dma_start3A_312 : memref<1x!tpu.dma_semaphore, #tpu.memory_space<semaphore_mem>> -> memref<!tpu.dma_semaphore, #tpu.memory_space<semaphore_mem>>
          %dma_start3A_314 = arith.constant 0 : i32
          %dma_start3A_315 = arith.constant 0 : i32
          %dma_start3A_316 = tpu.memref_slice %run_scoped3A[%rem3A_301, %dma_start3A_314, %dma_start3A_315] : memref<2x16x2048xf32, #tpu.memory_space<vmem>> -> memref<1x16x2048xf32, #tpu.memory_space<vmem>>
          %dma_start3A_317 = tpu.memref_squeeze %dma_start3A_316 : memref<1x16x2048xf32, #tpu.memory_space<vmem>> -> memref<16x2048xf32, #tpu.memory_space<vmem>>
          %dma_start3A_318 = arith.constant 0 : i32
          %dma_start3A_319 = tpu.memref_slice %arg2[%mul3A_305, %dma_start3A_318] : memref<8192x2048xf32, #tpu.memory_space<hbm>> -> memref<16x2048xf32, #tpu.memory_space<hbm>>
          tpu.enqueue_dma source(%dma_start3A_319 : memref<16x2048xf32, #tpu.memory_space<hbm>>) target(%dma_start3A_317 : memref<16x2048xf32, #tpu.memory_space<vmem>>) target_semaphore(%dma_start3A_313 : memref<!tpu.dma_semaphore, #tpu.memory_space<semaphore_mem>>)
          "tpu.trace_stop"() : () -> ()
        } else {
        }
        %and3A_171 = arith.constant true
        %and3A_172 = arith.andi %and3A, %and3A_171 : i1
        %add3A_173 = arith.constant 1 : i32
        %add3A_174 = arith.addi %scan3A_124, %add3A_173 : i32
        %select_n3A_175 = arith.select %and3A_172, %add3A_174, %scan3A_124 : i32
        %ne3A_176 = arith.cmpi ne, %add3A_133, %add3A_151 : i32
        %or3A_177 = arith.constant false
        %or3A_178 = arith.ori %or3A_177, %ne3A_176 : i1
        %or3A_179 = arith.constant false
        %or3A_180 = arith.ori %or3A_178, %or3A_179 : i1
        %ge3A_181 = arith.constant 3 : i32
        %ge3A_182 = arith.cmpi sge, %scan3A_123, %ge3A_181 : i32
        %not3A_183 = arith.constant true
        %not3A_184 = arith.xori %ge3A_182, %not3A_183 : i1
        %and3A_185 = arith.andi %or3A_180, %not3A_184 : i1
        %add3A_186 = arith.constant 384 : i32
        %add3A_187 = arith.addi %add3A_133, %add3A_186 : i32
        %add3A_188 = arith.constant 384 : i32
        %add3A_189 = arith.addi %add3A_142, %add3A_188 : i32
        %ne3A_190 = arith.cmpi ne, %add3A_187, %add3A_189 : i32
        %or3A_191 = arith.constant false
        %or3A_192 = arith.ori %or3A_191, %ne3A_190 : i1
        %or3A_193 = arith.constant false
        %or3A_194 = arith.ori %or3A_192, %or3A_193 : i1
        %or3A_195 = arith.ori %or3A_194, %eq3A_130 : i1
        %convert_element_type3A_196 = arith.extui %or3A_195 : i1 to i32
        %cond3A_197 = arith.constant 0 : i32
        %cond3A_198 = arith.cmpi ne, %convert_element_type3A_196, %cond3A_197 : i32
        scf.if %cond3A_198 {
          "tpu.trace_start"() <{level = 10 : i32, message = "ep_wait_in"}> : () -> ()
          %add3A_300 = arith.constant 384 : i32
          %add3A_301 = arith.addi %add3A_133, %add3A_300 : i32
          %mul3A_302 = arith.constant 16 : i32
          %mul3A_303 = arith.muli %mul3A_302, %add3A_301 : i32
          %rem3A_304 = arith.constant 2 : i32
          %rem3A_305 = arith.remui %scan3A_125, %rem3A_304 : i32
          %dma_wait3A_306 = arith.constant 0 : i32
          %dma_wait3A_307 = arith.constant 0 : i32
          %dma_wait3A_308 = tpu.memref_slice %run_scoped3A[%rem3A_305, %dma_wait3A_306, %dma_wait3A_307] : memref<2x16x2048xf32, #tpu.memory_space<vmem>> -> memref<1x16x2048xf32, #tpu.memory_space<vmem>>
          %dma_wait3A_309 = tpu.memref_squeeze %dma_wait3A_308 : memref<1x16x2048xf32, #tpu.memory_space<vmem>> -> memref<16x2048xf32, #tpu.memory_space<vmem>>
          %dma_wait3A_310 = arith.constant 0 : i32
          %dma_wait3A_311 = tpu.memref_slice %arg2[%mul3A_303, %dma_wait3A_310] : memref<8192x2048xf32, #tpu.memory_space<hbm>> -> memref<16x2048xf32, #tpu.memory_space<hbm>>
          %dma_wait3A_312 = tpu.memref_slice %run_scoped3A_7[%rem3A_305] : memref<2x!tpu.dma_semaphore, #tpu.memory_space<semaphore_mem>> -> memref<1x!tpu.dma_semaphore, #tpu.memory_space<semaphore_mem>>
          %dma_wait3A_313 = tpu.memref_squeeze %dma_wait3A_312 : memref<1x!tpu.dma_semaphore, #tpu.memory_space<semaphore_mem>> -> memref<!tpu.dma_semaphore, #tpu.memory_space<semaphore_mem>>
          %dma_wait3A_314 = arith.constant 0 : i32
          %dma_wait3A_315 = arith.constant 0 : i32
          %dma_wait3A_316 = tpu.memref_slice %run_scoped3A[%rem3A_305, %dma_wait3A_314, %dma_wait3A_315] : memref<2x16x2048xf32, #tpu.memory_space<vmem>> -> memref<1x16x2048xf32, #tpu.memory_space<vmem>>
          %dma_wait3A_317 = tpu.memref_squeeze %dma_wait3A_316 : memref<1x16x2048xf32, #tpu.memory_space<vmem>> -> memref<16x2048xf32, #tpu.memory_space<vmem>>
          %dma_wait3A_318 = arith.constant 0 : i32
          %dma_wait3A_319 = tpu.memref_slice %arg2[%mul3A_303, %dma_wait3A_318] : memref<8192x2048xf32, #tpu.memory_space<hbm>> -> memref<16x2048xf32, #tpu.memory_space<hbm>>
          tpu.wait_dma2 semaphore(%dma_wait3A_313 : memref<!tpu.dma_semaphore, #tpu.memory_space<semaphore_mem>>) src(%dma_wait3A_319 : memref<16x2048xf32, #tpu.memory_space<hbm>>) dst(%dma_wait3A_317 : memref<16x2048xf32, #tpu.memory_space<vmem>>)
          "tpu.trace_stop"() : () -> ()
        } else {
        }
        %ne3A_199 = arith.cmpi ne, %add3A_133, %add3A_142 : i32
        %or3A_200 = arith.constant false
        %or3A_201 = arith.ori %or3A_200, %ne3A_199 : i1
        %or3A_202 = arith.constant false
        %or3A_203 = arith.ori %or3A_201, %or3A_202 : i1
        %or3A_204 = arith.ori %or3A_203, %eq3A_130 : i1
        %convert_element_type3A_205 = arith.extui %or3A_204 : i1 to i32
        %cond3A_206 = arith.constant 0 : i32
        %cond3A_207 = arith.cmpi ne, %convert_element_type3A_205, %cond3A_206 : i32
        scf.if %cond3A_207 {
        } else {
        }
        %rem3A_208 = arith.constant 2 : i32
        %rem3A_209 = arith.remui %scan3A_125, %rem3A_208 : i32
        %rem3A_210 = arith.constant 2 : i32
        %rem3A_211 = arith.remui %scan3A_126, %rem3A_210 : i32
        "tpu.trace_start"() <{level = 10 : i32, message = "ep_run_kernel"}> : () -> ()
        %scan3A_212 = arith.constant 0 : i32
        %scan3A_213 = arith.constant 128 : i32
        %scan3A_214 = arith.addi %scan3A_212, %scan3A_213 : i32
        %scan3A_215 = arith.constant 1 : i32
        scf.for %scan3A_300 = %scan3A_212 to %scan3A_214 step %scan3A_215  : i32 {
          %mul3A_301 = arith.constant 16 : i32
          %mul3A_302 = arith.muli %scan3A_300, %mul3A_301 : i32
          %add3A_303 = arith.constant 0 : i32
          %add3A_304 = arith.addi %add3A_303, %mul3A_302 : i32
          %get3A = arith.constant 0 : i32
          %get3A_305 = arith.constant 0 : i32
          %get3A_306 = arith.constant 0 : i32
          %get3A_307 = tpu.memref_slice %run_scoped3A[%rem3A_209, %get3A_305, %get3A_306] : memref<2x16x2048xf32, #tpu.memory_space<vmem>> -> memref<1x16x2048xf32, #tpu.memory_space<vmem>>
          %get3A_308 = tpu.memref_squeeze %get3A_307 : memref<1x16x2048xf32, #tpu.memory_space<vmem>> -> memref<16x2048xf32, #tpu.memory_space<vmem>>
          %get3A_309 = arith.index_cast %get3A : i32 to index
          %get3A_310 = arith.index_cast %add3A_304 : i32 to index
          %get3A_311 = tpu.vector_load %get3A_308[%get3A_309, %get3A_310] {strides = array<i32>} : memref<16x2048xf32, #tpu.memory_space<vmem>>, vector<1x16xf32>,
          %get3A_312 = vector.shape_cast %get3A_311 : vector<1x16xf32> to vector<16xf32>
          %get3A_313 = arith.constant 1 : i32
          %get3A_314 = arith.constant 0 : i32
          %get3A_315 = arith.constant 0 : i32
          %get3A_316 = tpu.memref_slice %run_scoped3A[%rem3A_209, %get3A_314, %get3A_315] : memref<2x16x2048xf32, #tpu.memory_space<vmem>> -> memref<1x16x2048xf32, #tpu.memory_space<vmem>>
          %get3A_317 = tpu.memref_squeeze %get3A_316 : memref<1x16x2048xf32, #tpu.memory_space<vmem>> -> memref<16x2048xf32, #tpu.memory_space<vmem>>
          %get3A_318 = arith.index_cast %get3A_313 : i32 to index
          %get3A_319 = arith.index_cast %add3A_304 : i32 to index
          %get3A_320 = tpu.vector_load %get3A_317[%get3A_318, %get3A_319] {strides = array<i32>} : memref<16x2048xf32, #tpu.memory_space<vmem>>, vector<1x16xf32>,
          %get3A_321 = vector.shape_cast %get3A_320 : vector<1x16xf32> to vector<16xf32>
          %add3A_322 = arith.addf %get3A_312, %get3A_321 : vector<16xf32>
          %get3A_323 = arith.constant 2 : i32
          %get3A_324 = arith.constant 0 : i32
          %get3A_325 = arith.constant 0 : i32
          %get3A_326 = tpu.memref_slice %run_scoped3A[%rem3A_209, %get3A_324, %get3A_325] : memref<2x16x2048xf32, #tpu.memory_space<vmem>> -> memref<1x16x2048xf32, #tpu.memory_space<vmem>>
          %get3A_327 = tpu.memref_squeeze %get3A_326 : memref<1x16x2048xf32, #tpu.memory_space<vmem>> -> memref<16x2048xf32, #tpu.memory_space<vmem>>
          %get3A_328 = arith.index_cast %get3A_323 : i32 to index
          %get3A_329 = arith.index_cast %add3A_304 : i32 to index
          %get3A_330 = tpu.vector_load %get3A_327[%get3A_328, %get3A_329] {strides = array<i32>} : memref<16x2048xf32, #tpu.memory_space<vmem>>, vector<1x16xf32>,
          %get3A_331 = vector.shape_cast %get3A_330 : vector<1x16xf32> to vector<16xf32>
          %add3A_332 = arith.addf %add3A_322, %get3A_331 : vector<16xf32>
          %get3A_333 = arith.constant 3 : i32
          %get3A_334 = arith.constant 0 : i32
          %get3A_335 = arith.constant 0 : i32
          %get3A_336 = tpu.memref_slice %run_scoped3A[%rem3A_209, %get3A_334, %get3A_335] : memref<2x16x2048xf32, #tpu.memory_space<vmem>> -> memref<1x16x2048xf32, #tpu.memory_space<vmem>>
          %get3A_337 = tpu.memref_squeeze %get3A_336 : memref<1x16x2048xf32, #tpu.memory_space<vmem>> -> memref<16x2048xf32, #tpu.memory_space<vmem>>
          %get3A_338 = arith.index_cast %get3A_333 : i32 to index
          %get3A_339 = arith.index_cast %add3A_304 : i32 to index
          %get3A_340 = tpu.vector_load %get3A_337[%get3A_338, %get3A_339] {strides = array<i32>} : memref<16x2048xf32, #tpu.memory_space<vmem>>, vector<1x16xf32>,
          %get3A_341 = vector.shape_cast %get3A_340 : vector<1x16xf32> to vector<16xf32>
          %add3A_342 = arith.addf %add3A_332, %get3A_341 : vector<16xf32>
          %get3A_343 = arith.constant 4 : i32
          %get3A_344 = arith.constant 0 : i32
          %get3A_345 = arith.constant 0 : i32
          %get3A_346 = tpu.memref_slice %run_scoped3A[%rem3A_209, %get3A_344, %get3A_345] : memref<2x16x2048xf32, #tpu.memory_space<vmem>> -> memref<1x16x2048xf32, #tpu.memory_space<vmem>>
          %get3A_347 = tpu.memref_squeeze %get3A_346 : memref<1x16x2048xf32, #tpu.memory_space<vmem>> -> memref<16x2048xf32, #tpu.memory_space<vmem>>
          %get3A_348 = arith.index_cast %get3A_343 : i32 to index
          %get3A_349 = arith.index_cast %add3A_304 : i32 to index
          %get3A_350 = tpu.vector_load %get3A_347[%get3A_348, %get3A_349] {strides = array<i32>} : memref<16x2048xf32, #tpu.memory_space<vmem>>, vector<1x16xf32>,
          %get3A_351 = vector.shape_cast %get3A_350 : vector<1x16xf32> to vector<16xf32>
          %add3A_352 = arith.addf %add3A_342, %get3A_351 : vector<16xf32>
          %get3A_353 = arith.constant 5 : i32
          %get3A_354 = arith.constant 0 : i32
          %get3A_355 = arith.constant 0 : i32
          %get3A_356 = tpu.memref_slice %run_scoped3A[%rem3A_209, %get3A_354, %get3A_355] : memref<2x16x2048xf32, #tpu.memory_space<vmem>> -> memref<1x16x2048xf32, #tpu.memory_space<vmem>>
          %get3A_357 = tpu.memref_squeeze %get3A_356 : memref<1x16x2048xf32, #tpu.memory_space<vmem>> -> memref<16x2048xf32, #tpu.memory_space<vmem>>
          %get3A_358 = arith.index_cast %get3A_353 : i32 to index
          %get3A_359 = arith.index_cast %add3A_304 : i32 to index
          %get3A_360 = tpu.vector_load %get3A_357[%get3A_358, %get3A_359] {strides = array<i32>} : memref<16x2048xf32, #tpu.memory_space<vmem>>, vector<1x16xf32>,
          %get3A_361 = vector.shape_cast %get3A_360 : vector<1x16xf32> to vector<16xf32>
          %add3A_362 = arith.addf %add3A_352, %get3A_361 : vector<16xf32>
          %get3A_363 = arith.constant 6 : i32
          %get3A_364 = arith.constant 0 : i32
          %get3A_365 = arith.constant 0 : i32
          %get3A_366 = tpu.memref_slice %run_scoped3A[%rem3A_209, %get3A_364, %get3A_365] : memref<2x16x2048xf32, #tpu.memory_space<vmem>> -> memref<1x16x2048xf32, #tpu.memory_space<vmem>>
          %get3A_367 = tpu.memref_squeeze %get3A_366 : memref<1x16x2048xf32, #tpu.memory_space<vmem>> -> memref<16x2048xf32, #tpu.memory_space<vmem>>
          %get3A_368 = arith.index_cast %get3A_363 : i32 to index
          %get3A_369 = arith.index_cast %add3A_304 : i32 to index
          %get3A_370 = tpu.vector_load %get3A_367[%get3A_368, %get3A_369] {strides = array<i32>} : memref<16x2048xf32, #tpu.memory_space<vmem>>, vector<1x16xf32>,
          %get3A_371 = vector.shape_cast %get3A_370 : vector<1x16xf32> to vector<16xf32>
          %add3A_372 = arith.addf %add3A_362, %get3A_371 : vector<16xf32>
          %get3A_373 = arith.constant 7 : i32
          %get3A_374 = arith.constant 0 : i32
          %get3A_375 = arith.constant 0 : i32
          %get3A_376 = tpu.memref_slice %run_scoped3A[%rem3A_209, %get3A_374, %get3A_375] : memref<2x16x2048xf32, #tpu.memory_space<vmem>> -> memref<1x16x2048xf32, #tpu.memory_space<vmem>>
          %get3A_377 = tpu.memref_squeeze %get3A_376 : memref<1x16x2048xf32, #tpu.memory_space<vmem>> -> memref<16x2048xf32, #tpu.memory_space<vmem>>
          %get3A_378 = arith.index_cast %get3A_373 : i32 to index
          %get3A_379 = arith.index_cast %add3A_304 : i32 to index
          %get3A_380 = tpu.vector_load %get3A_377[%get3A_378, %get3A_379] {strides = array<i32>} : memref<16x2048xf32, #tpu.memory_space<vmem>>, vector<1x16xf32>,
          %get3A_381 = vector.shape_cast %get3A_380 : vector<1x16xf32> to vector<16xf32>
          %add3A_382 = arith.addf %add3A_372, %get3A_381 : vector<16xf32>
          %get3A_383 = arith.constant 8 : i32
          %get3A_384 = arith.constant 0 : i32
          %get3A_385 = arith.constant 0 : i32
          %get3A_386 = tpu.memref_slice %run_scoped3A[%rem3A_209, %get3A_384, %get3A_385] : memref<2x16x2048xf32, #tpu.memory_space<vmem>> -> memref<1x16x2048xf32, #tpu.memory_space<vmem>>
          %get3A_387 = tpu.memref_squeeze %get3A_386 : memref<1x16x2048xf32, #tpu.memory_space<vmem>> -> memref<16x2048xf32, #tpu.memory_space<vmem>>
          %get3A_388 = arith.index_cast %get3A_383 : i32 to index
          %get3A_389 = arith.index_cast %add3A_304 : i32 to index
          %get3A_390 = tpu.vector_load %get3A_387[%get3A_388, %get3A_389] {strides = array<i32>} : memref<16x2048xf32, #tpu.memory_space<vmem>>, vector<1x16xf32>,
          %get3A_391 = vector.shape_cast %get3A_390 : vector<1x16xf32> to vector<16xf32>
          %add3A_392 = arith.addf %add3A_382, %get3A_391 : vector<16xf32>
          %get3A_393 = arith.constant 9 : i32
          %get3A_394 = arith.constant 0 : i32
          %get3A_395 = arith.constant 0 : i32
          %get3A_396 = tpu.memref_slice %run_scoped3A[%rem3A_209, %get3A_394, %get3A_395] : memref<2x16x2048xf32, #tpu.memory_space<vmem>> -> memref<1x16x2048xf32, #tpu.memory_space<vmem>>
          %get3A_397 = tpu.memref_squeeze %get3A_396 : memref<1x16x2048xf32, #tpu.memory_space<vmem>> -> memref<16x2048xf32, #tpu.memory_space<vmem>>
          %get3A_398 = arith.index_cast %get3A_393 : i32 to index
          %get3A_399 = arith.index_cast %add3A_304 : i32 to index
          %get3A_400 = tpu.vector_load %get3A_397[%get3A_398, %get3A_399] {strides = array<i32>} : memref<16x2048xf32, #tpu.memory_space<vmem>>, vector<1x16xf32>,
          %get3A_401 = vector.shape_cast %get3A_400 : vector<1x16xf32> to vector<16xf32>
          %add3A_402 = arith.addf %add3A_392, %get3A_401 : vector<16xf32>
          %get3A_403 = arith.constant 10 : i32
          %get3A_404 = arith.constant 0 : i32
          %get3A_405 = arith.constant 0 : i32
          %get3A_406 = tpu.memref_slice %run_scoped3A[%rem3A_209, %get3A_404, %get3A_405] : memref<2x16x2048xf32, #tpu.memory_space<vmem>> -> memref<1x16x2048xf32, #tpu.memory_space<vmem>>
          %get3A_407 = tpu.memref_squeeze %get3A_406 : memref<1x16x2048xf32, #tpu.memory_space<vmem>> -> memref<16x2048xf32, #tpu.memory_space<vmem>>
          %get3A_408 = arith.index_cast %get3A_403 : i32 to index
          %get3A_409 = arith.index_cast %add3A_304 : i32 to index
          %get3A_410 = tpu.vector_load %get3A_407[%get3A_408, %get3A_409] {strides = array<i32>} : memref<16x2048xf32, #tpu.memory_space<vmem>>, vector<1x16xf32>,
          %get3A_411 = vector.shape_cast %get3A_410 : vector<1x16xf32> to vector<16xf32>
          %add3A_412 = arith.addf %add3A_402, %get3A_411 : vector<16xf32>
          %get3A_413 = arith.constant 11 : i32
          %get3A_414 = arith.constant 0 : i32
          %get3A_415 = arith.constant 0 : i32
          %get3A_416 = tpu.memref_slice %run_scoped3A[%rem3A_209, %get3A_414, %get3A_415] : memref<2x16x2048xf32, #tpu.memory_space<vmem>> -> memref<1x16x2048xf32, #tpu.memory_space<vmem>>
          %get3A_417 = tpu.memref_squeeze %get3A_416 : memref<1x16x2048xf32, #tpu.memory_space<vmem>> -> memref<16x2048xf32, #tpu.memory_space<vmem>>
          %get3A_418 = arith.index_cast %get3A_413 : i32 to index
          %get3A_419 = arith.index_cast %add3A_304 : i32 to index
          %get3A_420 = tpu.vector_load %get3A_417[%get3A_418, %get3A_419] {strides = array<i32>} : memref<16x2048xf32, #tpu.memory_space<vmem>>, vector<1x16xf32>,
          %get3A_421 = vector.shape_cast %get3A_420 : vector<1x16xf32> to vector<16xf32>
          %add3A_422 = arith.addf %add3A_412, %get3A_421 : vector<16xf32>
          %get3A_423 = arith.constant 12 : i32
          %get3A_424 = arith.constant 0 : i32
          %get3A_425 = arith.constant 0 : i32
          %get3A_426 = tpu.memref_slice %run_scoped3A[%rem3A_209, %get3A_424, %get3A_425] : memref<2x16x2048xf32, #tpu.memory_space<vmem>> -> memref<1x16x2048xf32, #tpu.memory_space<vmem>>
          %get3A_427 = tpu.memref_squeeze %get3A_426 : memref<1x16x2048xf32, #tpu.memory_space<vmem>> -> memref<16x2048xf32, #tpu.memory_space<vmem>>
          %get3A_428 = arith.index_cast %get3A_423 : i32 to index
          %get3A_429 = arith.index_cast %add3A_304 : i32 to index
          %get3A_430 = tpu.vector_load %get3A_427[%get3A_428, %get3A_429] {strides = array<i32>} : memref<16x2048xf32, #tpu.memory_space<vmem>>, vector<1x16xf32>,
          %get3A_431 = vector.shape_cast %get3A_430 : vector<1x16xf32> to vector<16xf32>
          %add3A_432 = arith.addf %add3A_422, %get3A_431 : vector<16xf32>
          %get3A_433 = arith.constant 13 : i32
          %get3A_434 = arith.constant 0 : i32
          %get3A_435 = arith.constant 0 : i32
          %get3A_436 = tpu.memref_slice %run_scoped3A[%rem3A_209, %get3A_434, %get3A_435] : memref<2x16x2048xf32, #tpu.memory_space<vmem>> -> memref<1x16x2048xf32, #tpu.memory_space<vmem>>
          %get3A_437 = tpu.memref_squeeze %get3A_436 : memref<1x16x2048xf32, #tpu.memory_space<vmem>> -> memref<16x2048xf32, #tpu.memory_space<vmem>>
          %get3A_438 = arith.index_cast %get3A_433 : i32 to index
          %get3A_439 = arith.index_cast %add3A_304 : i32 to index
          %get3A_440 = tpu.vector_load %get3A_437[%get3A_438, %get3A_439] {strides = array<i32>} : memref<16x2048xf32, #tpu.memory_space<vmem>>, vector<1x16xf32>,
          %get3A_441 = vector.shape_cast %get3A_440 : vector<1x16xf32> to vector<16xf32>
          %add3A_442 = arith.addf %add3A_432, %get3A_441 : vector<16xf32>
          %get3A_443 = arith.constant 14 : i32
          %get3A_444 = arith.constant 0 : i32
          %get3A_445 = arith.constant 0 : i32
          %get3A_446 = tpu.memref_slice %run_scoped3A[%rem3A_209, %get3A_444, %get3A_445] : memref<2x16x2048xf32, #tpu.memory_space<vmem>> -> memref<1x16x2048xf32, #tpu.memory_space<vmem>>
          %get3A_447 = tpu.memref_squeeze %get3A_446 : memref<1x16x2048xf32, #tpu.memory_space<vmem>> -> memref<16x2048xf32, #tpu.memory_space<vmem>>
          %get3A_448 = arith.index_cast %get3A_443 : i32 to index
          %get3A_449 = arith.index_cast %add3A_304 : i32 to index
          %get3A_450 = tpu.vector_load %get3A_447[%get3A_448, %get3A_449] {strides = array<i32>} : memref<16x2048xf32, #tpu.memory_space<vmem>>, vector<1x16xf32>,
          %get3A_451 = vector.shape_cast %get3A_450 : vector<1x16xf32> to vector<16xf32>
          %add3A_452 = arith.addf %add3A_442, %get3A_451 : vector<16xf32>
          %get3A_453 = arith.constant 15 : i32
          %get3A_454 = arith.constant 0 : i32
          %get3A_455 = arith.constant 0 : i32
          %get3A_456 = tpu.memref_slice %run_scoped3A[%rem3A_209, %get3A_454, %get3A_455] : memref<2x16x2048xf32, #tpu.memory_space<vmem>> -> memref<1x16x2048xf32, #tpu.memory_space<vmem>>
          %get3A_457 = tpu.memref_squeeze %get3A_456 : memref<1x16x2048xf32, #tpu.memory_space<vmem>> -> memref<16x2048xf32, #tpu.memory_space<vmem>>
          %get3A_458 = arith.index_cast %get3A_453 : i32 to index
          %get3A_459 = arith.index_cast %add3A_304 : i32 to index
          %get3A_460 = tpu.vector_load %get3A_457[%get3A_458, %get3A_459] {strides = array<i32>} : memref<16x2048xf32, #tpu.memory_space<vmem>>, vector<1x16xf32>,
          %get3A_461 = vector.shape_cast %get3A_460 : vector<1x16xf32> to vector<16xf32>
          %add3A_462 = arith.addf %add3A_452, %get3A_461 : vector<16xf32>
          %swap3A = arith.constant 0 : i32
          %swap3A_463 = arith.constant 0 : i32
          %swap3A_464 = arith.constant 0 : i32
          %swap3A_465 = tpu.memref_slice %run_scoped3A_8[%rem3A_211, %swap3A_463, %swap3A_464] : memref<2x1x2048xf32, #tpu.memory_space<vmem>> -> memref<1x1x2048xf32, #tpu.memory_space<vmem>>
          %swap3A_466 = tpu.memref_squeeze %swap3A_465 : memref<1x1x2048xf32, #tpu.memory_space<vmem>> -> memref<1x2048xf32, #tpu.memory_space<vmem>>
          %swap3A_467 = arith.index_cast %swap3A : i32 to index
          %swap3A_468 = arith.index_cast %add3A_304 : i32 to index
          %swap3A_469 = tpu.vector_load %swap3A_466[%swap3A_467, %swap3A_468] {strides = array<i32>} : memref<1x2048xf32, #tpu.memory_space<vmem>>, vector<1x16xf32>,
          %swap3A_470 = vector.shape_cast %swap3A_469 : vector<1x16xf32> to vector<16xf32>
          %swap3A_471 = vector.shape_cast %add3A_462 : vector<16xf32> to vector<1x16xf32>
          tpu.vector_store %swap3A_466[%swap3A_467, %swap3A_468], %swap3A_471 {strides = array<i32>} : memref<1x2048xf32, #tpu.memory_space<vmem>>, vector<1x16xf32>,
        }
        %scan3A_216 = arith.constant 128 : i32
        "tpu.trace_stop"() : () -> ()
        %add3A_217 = arith.constant 384 : i32
        %add3A_218 = arith.addi %add3A_133, %add3A_217 : i32
        %add3A_219 = arith.constant 384 : i32
        %add3A_220 = arith.addi %add3A_151, %add3A_219 : i32
        %ne3A_221 = arith.cmpi ne, %add3A_218, %add3A_220 : i32
        %or3A_222 = arith.constant false
        %or3A_223 = arith.ori %or3A_222, %ne3A_221 : i1
        %or3A_224 = arith.constant false
        %or3A_225 = arith.ori %or3A_223, %or3A_224 : i1
        %or3A_226 = arith.ori %or3A_225, %eq3A_132 : i1
        %convert_element_type3A_227 = arith.extui %or3A_226 : i1 to i32
        %cond3A_228 = arith.constant 0 : i32
        %cond3A_229 = arith.cmpi ne, %convert_element_type3A_227, %cond3A_228 : i32
        scf.if %cond3A_229 {
        } else {
        }
        %and3A_230 = arith.constant false
        %and3A_231 = arith.andi %or3A_226, %and3A_230 : i1
        %ne3A_232 = arith.cmpi ne, %add3A_133, %add3A_151 : i32
        %or3A_233 = arith.constant false
        %or3A_234 = arith.ori %or3A_233, %ne3A_232 : i1
        %or3A_235 = arith.constant false
        %or3A_236 = arith.ori %or3A_234, %or3A_235 : i1
        %or3A_237 = arith.ori %or3A_236, %eq3A_132 : i1
        %convert_element_type3A_238 = arith.extui %or3A_237 : i1 to i32
        %cond3A_239 = arith.constant 0 : i32
        %cond3A_240 = arith.cmpi ne, %convert_element_type3A_238, %cond3A_239 : i32
        scf.if %cond3A_240 {
          "tpu.trace_start"() <{level = 10 : i32, message = "ep_copy_out"}> : () -> ()
          %rem3A_300 = arith.constant 2 : i32
          %rem3A_301 = arith.remui %scan3A_126, %rem3A_300 : i32
          %mul3A_302 = arith.constant 1 : i32
          %mul3A_303 = arith.muli %mul3A_302, %add3A_133 : i32
          %dma_start3A_304 = arith.constant 0 : i32
          %dma_start3A_305 = arith.constant 0 : i32
          %dma_start3A_306 = tpu.memref_slice %run_scoped3A_8[%rem3A_301, %dma_start3A_304, %dma_start3A_305] : memref<2x1x2048xf32, #tpu.memory_space<vmem>> -> memref<1x1x2048xf32, #tpu.memory_space<vmem>>
          %dma_start3A_307 = tpu.memref_squeeze %dma_start3A_306 : memref<1x1x2048xf32, #tpu.memory_space<vmem>> -> memref<1x2048xf32, #tpu.memory_space<vmem>>
          %dma_start3A_308 = arith.constant 0 : i32
          %dma_start3A_309 = tpu.memref_slice %arg3[%mul3A_303, %dma_start3A_308] : memref<128x2048xf32, #tpu.memory_space<hbm>> -> memref<1x2048xf32, #tpu.memory_space<hbm>>
          %dma_start3A_310 = tpu.memref_slice %run_scoped3A_9[%rem3A_301] : memref<2x!tpu.dma_semaphore, #tpu.memory_space<semaphore_mem>> -> memref<1x!tpu.dma_semaphore, #tpu.memory_space<semaphore_mem>>
          %dma_start3A_311 = tpu.memref_squeeze %dma_start3A_310 : memref<1x!tpu.dma_semaphore, #tpu.memory_space<semaphore_mem>> -> memref<!tpu.dma_semaphore, #tpu.memory_space<semaphore_mem>>
          %dma_start3A_312 = arith.constant 0 : i32
          %dma_start3A_313 = tpu.memref_slice %arg3[%mul3A_303, %dma_start3A_312] : memref<128x2048xf32, #tpu.memory_space<hbm>> -> memref<1x2048xf32, #tpu.memory_space<hbm>>
          %dma_start3A_314 = arith.constant 0 : i32
          %dma_start3A_315 = arith.constant 0 : i32
          %dma_start3A_316 = tpu.memref_slice %run_scoped3A_8[%rem3A_301, %dma_start3A_314, %dma_start3A_315] : memref<2x1x2048xf32, #tpu.memory_space<vmem>> -> memref<1x1x2048xf32, #tpu.memory_space<vmem>>
          %dma_start3A_317 = tpu.memref_squeeze %dma_start3A_316 : memref<1x1x2048xf32, #tpu.memory_space<vmem>> -> memref<1x2048xf32, #tpu.memory_space<vmem>>
          tpu.enqueue_dma source(%dma_start3A_317 : memref<1x2048xf32, #tpu.memory_space<vmem>>) target(%dma_start3A_313 : memref<1x2048xf32, #tpu.memory_space<hbm>>) target_semaphore(%dma_start3A_311 : memref<!tpu.dma_semaphore, #tpu.memory_space<semaphore_mem>>)
          "tpu.trace_stop"() : () -> ()
        } else {
        }
        %and3A_241 = arith.constant true
        %and3A_242 = arith.andi %or3A_237, %and3A_241 : i1
        %add3A_243 = arith.constant 1 : i32
        %add3A_244 = arith.addi %scan3A_126, %add3A_243 : i32
        %select_n3A_245 = arith.select %and3A_242, %add3A_244, %scan3A_126 : i32
        %add3A_246 = arith.constant 384 : i32
        %add3A_247 = arith.addi %add3A_133, %add3A_246 : i32
        %add3A_248 = arith.constant 384 : i32
        %add3A_249 = arith.addi %add3A_142, %add3A_248 : i32
        %ne3A_250 = arith.cmpi ne, %add3A_247, %add3A_249 : i32
        %or3A_251 = arith.constant false
        %or3A_252 = arith.ori %or3A_251, %ne3A_250 : i1
        %or3A_253 = arith.constant false
        %or3A_254 = arith.ori %or3A_252, %or3A_253 : i1
        %not3A_255 = arith.constant true
        %not3A_256 = arith.xori %eq3A_130, %not3A_255 : i1
        %and3A_257 = arith.andi %or3A_254, %not3A_256 : i1
        %convert_element_type3A_258 = arith.extui %and3A_257 : i1 to i32
        %cond3A_259 = arith.constant 0 : i32
        %cond3A_260 = arith.cmpi ne, %convert_element_type3A_258, %cond3A_259 : i32
        scf.if %cond3A_260 {
        } else {
        }
        %and3A_261 = arith.constant false
        %and3A_262 = arith.andi %and3A_257, %and3A_261 : i1
        %ne3A_263 = arith.cmpi ne, %add3A_133, %add3A_142 : i32
        %or3A_264 = arith.constant false
        %or3A_265 = arith.ori %or3A_264, %ne3A_263 : i1
        %or3A_266 = arith.constant false
        %or3A_267 = arith.ori %or3A_265, %or3A_266 : i1
        %not3A_268 = arith.constant true
        %not3A_269 = arith.xori %eq3A_130, %not3A_268 : i1
        %and3A_270 = arith.andi %or3A_267, %not3A_269 : i1
        %convert_element_type3A_271 = arith.extui %and3A_270 : i1 to i32
        %cond3A_272 = arith.constant 0 : i32
        %cond3A_273 = arith.cmpi ne, %convert_element_type3A_271, %cond3A_272 : i32
        scf.if %cond3A_273 {
          "tpu.trace_start"() <{level = 10 : i32, message = "ep_wait_out"}> : () -> ()
          %rem3A_300 = arith.constant 2 : i32
          %rem3A_301 = arith.remui %scan3A_127, %rem3A_300 : i32
          %mul3A_302 = arith.constant 1 : i32
          %mul3A_303 = arith.muli %mul3A_302, %add3A_142 : i32
          %dma_wait3A_304 = arith.constant 0 : i32
          %dma_wait3A_305 = arith.constant 0 : i32
          %dma_wait3A_306 = tpu.memref_slice %run_scoped3A_8[%rem3A_301, %dma_wait3A_304, %dma_wait3A_305] : memref<2x1x2048xf32, #tpu.memory_space<vmem>> -> memref<1x1x2048xf32, #tpu.memory_space<vmem>>
          %dma_wait3A_307 = tpu.memref_squeeze %dma_wait3A_306 : memref<1x1x2048xf32, #tpu.memory_space<vmem>> -> memref<1x2048xf32, #tpu.memory_space<vmem>>
          %dma_wait3A_308 = arith.constant 0 : i32
          %dma_wait3A_309 = tpu.memref_slice %arg3[%mul3A_303, %dma_wait3A_308] : memref<128x2048xf32, #tpu.memory_space<hbm>> -> memref<1x2048xf32, #tpu.memory_space<hbm>>
          %dma_wait3A_310 = tpu.memref_slice %run_scoped3A_9[%rem3A_301] : memref<2x!tpu.dma_semaphore, #tpu.memory_space<semaphore_mem>> -> memref<1x!tpu.dma_semaphore, #tpu.memory_space<semaphore_mem>>
          %dma_wait3A_311 = tpu.memref_squeeze %dma_wait3A_310 : memref<1x!tpu.dma_semaphore, #tpu.memory_space<semaphore_mem>> -> memref<!tpu.dma_semaphore, #tpu.memory_space<semaphore_mem>>
          %dma_wait3A_312 = arith.constant 0 : i32
          %dma_wait3A_313 = tpu.memref_slice %arg3[%mul3A_303, %dma_wait3A_312] : memref<128x2048xf32, #tpu.memory_space<hbm>> -> memref<1x2048xf32, #tpu.memory_space<hbm>>
          %dma_wait3A_314 = arith.constant 0 : i32
          %dma_wait3A_315 = arith.constant 0 : i32
          %dma_wait3A_316 = tpu.memref_slice %run_scoped3A_8[%rem3A_301, %dma_wait3A_314, %dma_wait3A_315] : memref<2x1x2048xf32, #tpu.memory_space<vmem>> -> memref<1x1x2048xf32, #tpu.memory_space<vmem>>
          %dma_wait3A_317 = tpu.memref_squeeze %dma_wait3A_316 : memref<1x1x2048xf32, #tpu.memory_space<vmem>> -> memref<1x2048xf32, #tpu.memory_space<vmem>>
          tpu.wait_dma2 semaphore(%dma_wait3A_311 : memref<!tpu.dma_semaphore, #tpu.memory_space<semaphore_mem>>) src(%dma_wait3A_317 : memref<1x2048xf32, #tpu.memory_space<vmem>>) dst(%dma_wait3A_313 : memref<1x2048xf32, #tpu.memory_space<hbm>>)
          "tpu.trace_stop"() : () -> ()
        } else {
        }
        %and3A_274 = arith.constant true
        %and3A_275 = arith.andi %and3A_270, %and3A_274 : i1
        %add3A_276 = arith.constant 1 : i32
        %add3A_277 = arith.addi %scan3A_127, %add3A_276 : i32
        %select_n3A_278 = arith.select %and3A_275, %add3A_277, %scan3A_127 : i32
        %add3A_279 = arith.constant 384 : i32
        %add3A_280 = arith.addi %add3A_133, %add3A_279 : i32
        %add3A_281 = arith.constant 384 : i32
        %add3A_282 = arith.addi %add3A_151, %add3A_281 : i32
        %ne3A_283 = arith.cmpi ne, %add3A_280, %add3A_282 : i32
        %or3A_284 = arith.constant false
        %or3A_285 = arith.ori %or3A_284, %ne3A_283 : i1
        %or3A_286 = arith.constant false
        %or3A_287 = arith.ori %or3A_285, %or3A_286 : i1
        %or3A_288 = arith.ori %or3A_287, %eq3A_132 : i1
        %add3A_289 = arith.constant 1 : i32
        %add3A_290 = arith.addi %scan3A_125, %add3A_289 : i32
        %select_n3A_291 = arith.select %or3A_288, %add3A_290, %scan3A_125 : i32
        %add3A_292 = arith.constant 1 : i32
        %add3A_293 = arith.addi %scan3A_128, %add3A_292 : i32
        %select_n3A_294 = arith.constant true
        %select_n3A_295 = arith.select %select_n3A_294, %add3A_293, %scan3A_128 : i32
        %eq3A_296 = arith.constant 4 : i32
        %eq3A_297 = arith.cmpi eq, %select_n3A_295, %eq3A_296 : i32
        %select_n3A_298 = arith.constant 0 : i32
        %select_n3A_299 = arith.select %eq3A_297, %select_n3A_298, %select_n3A_295 : i32
        scf.yield %select_n3A_175, %select_n3A_291, %select_n3A_245, %select_n3A_278, %select_n3A_299 : i32, i32, i32, i32, i32
      }
      %scan3A_70 = arith.constant 4 : i32
      %sub3A = arith.constant 1 : i32
      %sub3A_71 = arith.subi %scan3A_69#4, %sub3A : i32
      %select_n3A_72 = arith.constant true
      %select_n3A_73 = arith.select %select_n3A_72, %sub3A_71, %scan3A_69#4 : i32
      %eq3A_74 = arith.constant -1 : i32
      %eq3A_75 = arith.cmpi eq, %select_n3A_73, %eq3A_74 : i32
      %select_n3A_76 = arith.constant 3 : i32
      %select_n3A_77 = arith.select %eq3A_75, %select_n3A_76, %select_n3A_73 : i32
      %add3A_78 = arith.addi %select_n3A_77, %mul3A_6 : i32
      %sub3A_79 = arith.constant 1 : i32
      %sub3A_80 = arith.subi %select_n3A_77, %sub3A_79 : i32
      %select_n3A_81 = arith.constant true
      %select_n3A_82 = arith.select %select_n3A_81, %sub3A_80, %select_n3A_77 : i32
      %eq3A_83 = arith.constant -1 : i32
      %eq3A_84 = arith.cmpi eq, %select_n3A_82, %eq3A_83 : i32
      %select_n3A_85 = arith.constant 3 : i32
      %select_n3A_86 = arith.select %eq3A_84, %select_n3A_85, %select_n3A_82 : i32
      %add3A_87 = arith.addi %select_n3A_86, %mul3A_6 : i32
      %add3A_88 = arith.constant 1 : i32
      %add3A_89 = arith.addi %select_n3A_77, %add3A_88 : i32
      %select_n3A_90 = arith.constant true
      %select_n3A_91 = arith.select %select_n3A_90, %add3A_89, %select_n3A_77 : i32
      %eq3A_92 = arith.constant 4 : i32
      %eq3A_93 = arith.cmpi eq, %select_n3A_91, %eq3A_92 : i32
      %select_n3A_94 = arith.constant 0 : i32
      %select_n3A_95 = arith.select %eq3A_93, %select_n3A_94, %select_n3A_91 : i32
      %add3A_96 = arith.addi %select_n3A_95, %mul3A_6 : i32
      %add3A_97 = arith.constant 1 : i32
      %add3A_98 = arith.addi %select_n3A_95, %add3A_97 : i32
      %select_n3A_99 = arith.constant true
      %select_n3A_100 = arith.select %select_n3A_99, %add3A_98, %select_n3A_95 : i32
      %eq3A_101 = arith.constant 4 : i32
      %eq3A_102 = arith.cmpi eq, %select_n3A_100, %eq3A_101 : i32
      %select_n3A_103 = arith.constant 0 : i32
      %select_n3A_104 = arith.select %eq3A_102, %select_n3A_103, %select_n3A_100 : i32
      %add3A_105 = arith.addi %select_n3A_104, %mul3A_6 : i32
      "tpu.trace_start"() <{level = 10 : i32, message = "ep_finalize"}> : () -> ()
      %rem3A_106 = arith.constant 2 : i32
      %rem3A_107 = arith.remui %scan3A_69#3, %rem3A_106 : i32
      %mul3A_108 = arith.constant 1 : i32
      %mul3A_109 = arith.muli %mul3A_108, %add3A_78 : i32
      %dma_wait3A = arith.constant 0 : i32
      %dma_wait3A_110 = arith.constant 0 : i32
      %dma_wait3A_111 = tpu.memref_slice %run_scoped3A_8[%rem3A_107, %dma_wait3A, %dma_wait3A_110] : memref<2x1x2048xf32, #tpu.memory_space<vmem>> -> memref<1x1x2048xf32, #tpu.memory_space<vmem>>
      %dma_wait3A_112 = tpu.memref_squeeze %dma_wait3A_111 : memref<1x1x2048xf32, #tpu.memory_space<vmem>> -> memref<1x2048xf32, #tpu.memory_space<vmem>>
      %dma_wait3A_113 = arith.constant 0 : i32
      %dma_wait3A_114 = tpu.memref_slice %arg3[%mul3A_109, %dma_wait3A_113] : memref<128x2048xf32, #tpu.memory_space<hbm>> -> memref<1x2048xf32, #tpu.memory_space<hbm>>
      %dma_wait3A_115 = tpu.memref_slice %run_scoped3A_9[%rem3A_107] : memref<2x!tpu.dma_semaphore, #tpu.memory_space<semaphore_mem>> -> memref<1x!tpu.dma_semaphore, #tpu.memory_space<semaphore_mem>>
      %dma_wait3A_116 = tpu.memref_squeeze %dma_wait3A_115 : memref<1x!tpu.dma_semaphore, #tpu.memory_space<semaphore_mem>> -> memref<!tpu.dma_semaphore, #tpu.memory_space<semaphore_mem>>
      %dma_wait3A_117 = arith.constant 0 : i32
      %dma_wait3A_118 = tpu.memref_slice %arg3[%mul3A_109, %dma_wait3A_117] : memref<128x2048xf32, #tpu.memory_space<hbm>> -> memref<1x2048xf32, #tpu.memory_space<hbm>>
      %dma_wait3A_119 = arith.constant 0 : i32
      %dma_wait3A_120 = arith.constant 0 : i32
      %dma_wait3A_121 = tpu.memref_slice %run_scoped3A_8[%rem3A_107, %dma_wait3A_119, %dma_wait3A_120] : memref<2x1x2048xf32, #tpu.memory_space<vmem>> -> memref<1x1x2048xf32, #tpu.memory_space<vmem>>
      %dma_wait3A_122 = tpu.memref_squeeze %dma_wait3A_121 : memref<1x1x2048xf32, #tpu.memory_space<vmem>> -> memref<1x2048xf32, #tpu.memory_space<vmem>>
      tpu.wait_dma2 semaphore(%dma_wait3A_116 : memref<!tpu.dma_semaphore, #tpu.memory_space<semaphore_mem>>) src(%dma_wait3A_122 : memref<1x2048xf32, #tpu.memory_space<vmem>>) dst(%dma_wait3A_118 : memref<1x2048xf32, #tpu.memory_space<hbm>>)
      "tpu.trace_stop"() : () -> ()
      tpu.yield
    }) : () -> ()
    return
  }
}

module attributes {stable_mosaic.version = 14 : i64} {
  func.func @_tc_reduce_body(%arg0: i32, %arg1: memref<256x2048xf32, #tpu.memory_space<vmem>>, %arg2: memref<256x2048xf32, #tpu.memory_space<vmem>>, %arg3: memref<256x2048xf32, #tpu.memory_space<vmem>>, %arg4: memref<256x2048xf32, #tpu.memory_space<vmem>>, %arg5: memref<24x2048xf32, #tpu.memory_space<vmem>>) attributes {dimension_semantics = [#tpu.dimension_semantics<arbitrary>], iteration_bounds = array<i64: 6>, scalar_prefetch = 0 : i64, scratch_operands = 0 : i64, tpu.core_type = #tpu.core_type<tc>, window_params = [{transform_indices = @transform_0, window_bounds = array<i64: 256, 2048>}, {transform_indices = @transform_1, window_bounds = array<i64: 256, 2048>}, {transform_indices = @transform_2, window_bounds = array<i64: 256, 2048>}, {transform_indices = @transform_3, window_bounds = array<i64: 256, 2048>}, {pipeline_mode = #tpu.pipeline_mode<synchronous>, transform_indices = @transform_4, window_bounds = array<i64: 24, 2048>}]} {
    %broadcast_in_dim3A = arith.constant 1.000000e+00 : f32
    %broadcast_in_dim3A_0 = vector.broadcast %broadcast_in_dim3A : f32 to vector<1x256xf32>
    %get3A = arith.constant 0 : index
    %get3A_1 = arith.constant 0 : index
    %get3A_2 = vector.load %arg1[%get3A, %get3A_1] : memref<256x2048xf32, #tpu.memory_space<vmem>>, vector<256x2048xf32>
    %dot_general3A = arith.constant dense<0.000000e+00> : vector<1x2048xf32>
    %dot_general3A_3 = tpu.matmul %broadcast_in_dim3A_0, %get3A_2, %dot_general3A {dimension_numbers = #tpu.dot_dimension_numbers<[1], [0], [0], [1], [0, 0, 1, 1], [], []>, transpose_lhs_hint = false} : vector<1x256xf32>, vector<256x2048xf32>, vector<1x2048xf32> -> vector<1x2048xf32>
    %add3A = arith.constant 0 : i32
    %add3A_4 = arith.addi %arg0, %add3A : i32
    %swap3A = arith.index_cast %add3A_4 : i32 to index
    %swap3A_5 = arith.constant 0 : index
    %swap3A_6 = vector.load %arg5[%swap3A, %swap3A_5] : memref<24x2048xf32, #tpu.memory_space<vmem>>, vector<1x2048xf32>
    tpu.vector_store %arg5[%swap3A, %swap3A_5], %dot_general3A_3 {strides = array<i32>} : memref<24x2048xf32, #tpu.memory_space<vmem>>, vector<1x2048xf32>,
    %get3A_7 = arith.constant 0 : index
    %get3A_8 = arith.constant 0 : index
    %get3A_9 = vector.load %arg2[%get3A_7, %get3A_8] : memref<256x2048xf32, #tpu.memory_space<vmem>>, vector<256x2048xf32>
    %dot_general3A_10 = arith.constant dense<0.000000e+00> : vector<1x2048xf32>
    %dot_general3A_11 = tpu.matmul %broadcast_in_dim3A_0, %get3A_9, %dot_general3A_10 {dimension_numbers = #tpu.dot_dimension_numbers<[1], [0], [0], [1], [0, 0, 1, 1], [], []>, transpose_lhs_hint = false} : vector<1x256xf32>, vector<256x2048xf32>, vector<1x2048xf32> -> vector<1x2048xf32>
    %add3A_12 = arith.constant 6 : i32
    %add3A_13 = arith.addi %arg0, %add3A_12 : i32
    %swap3A_14 = arith.index_cast %add3A_13 : i32 to index
    %swap3A_15 = arith.constant 0 : index
    %swap3A_16 = vector.load %arg5[%swap3A_14, %swap3A_15] : memref<24x2048xf32, #tpu.memory_space<vmem>>, vector<1x2048xf32>
    tpu.vector_store %arg5[%swap3A_14, %swap3A_15], %dot_general3A_11 {strides = array<i32>} : memref<24x2048xf32, #tpu.memory_space<vmem>>, vector<1x2048xf32>,
    %get3A_17 = arith.constant 0 : index
    %get3A_18 = arith.constant 0 : index
    %get3A_19 = vector.load %arg3[%get3A_17, %get3A_18] : memref<256x2048xf32, #tpu.memory_space<vmem>>, vector<256x2048xf32>
    %dot_general3A_20 = arith.constant dense<0.000000e+00> : vector<1x2048xf32>
    %dot_general3A_21 = tpu.matmul %broadcast_in_dim3A_0, %get3A_19, %dot_general3A_20 {dimension_numbers = #tpu.dot_dimension_numbers<[1], [0], [0], [1], [0, 0, 1, 1], [], []>, transpose_lhs_hint = false} : vector<1x256xf32>, vector<256x2048xf32>, vector<1x2048xf32> -> vector<1x2048xf32>
    %add3A_22 = arith.constant 12 : i32
    %add3A_23 = arith.addi %arg0, %add3A_22 : i32
    %swap3A_24 = arith.index_cast %add3A_23 : i32 to index
    %swap3A_25 = arith.constant 0 : index
    %swap3A_26 = vector.load %arg5[%swap3A_24, %swap3A_25] : memref<24x2048xf32, #tpu.memory_space<vmem>>, vector<1x2048xf32>
    tpu.vector_store %arg5[%swap3A_24, %swap3A_25], %dot_general3A_21 {strides = array<i32>} : memref<24x2048xf32, #tpu.memory_space<vmem>>, vector<1x2048xf32>,
    %get3A_27 = arith.constant 0 : index
    %get3A_28 = arith.constant 0 : index
    %get3A_29 = vector.load %arg4[%get3A_27, %get3A_28] : memref<256x2048xf32, #tpu.memory_space<vmem>>, vector<256x2048xf32>
    %dot_general3A_30 = arith.constant dense<0.000000e+00> : vector<1x2048xf32>
    %dot_general3A_31 = tpu.matmul %broadcast_in_dim3A_0, %get3A_29, %dot_general3A_30 {dimension_numbers = #tpu.dot_dimension_numbers<[1], [0], [0], [1], [0, 0, 1, 1], [], []>, transpose_lhs_hint = false} : vector<1x256xf32>, vector<256x2048xf32>, vector<1x2048xf32> -> vector<1x2048xf32>
    %add3A_32 = arith.constant 18 : i32
    %add3A_33 = arith.addi %arg0, %add3A_32 : i32
    %swap3A_34 = arith.index_cast %add3A_33 : i32 to index
    %swap3A_35 = arith.constant 0 : index
    %swap3A_36 = vector.load %arg5[%swap3A_34, %swap3A_35] : memref<24x2048xf32, #tpu.memory_space<vmem>>, vector<1x2048xf32>
    tpu.vector_store %arg5[%swap3A_34, %swap3A_35], %dot_general3A_31 {strides = array<i32>} : memref<24x2048xf32, #tpu.memory_space<vmem>>, vector<1x2048xf32>,
    return
  }
  func.func @transform_0(%arg0: i32) -> (i32, i32) {
    %add3A = arith.constant 0 : i32
    %add3A_0 = arith.addi %arg0, %add3A : i32
    %c0_i32 = arith.constant 0 : i32
    %c0_i32_1 = arith.constant 0 : i32
    return %add3A_0, %c0_i32 : i32, i32
  }
  func.func @transform_1(%arg0: i32) -> (i32, i32) {
    %add3A = arith.constant 6 : i32
    %add3A_0 = arith.addi %arg0, %add3A : i32
    %c0_i32 = arith.constant 0 : i32
    %c0_i32_1 = arith.constant 0 : i32
    return %add3A_0, %c0_i32 : i32, i32
  }
  func.func @transform_2(%arg0: i32) -> (i32, i32) {
    %add3A = arith.constant 12 : i32
    %add3A_0 = arith.addi %arg0, %add3A : i32
    %c0_i32 = arith.constant 0 : i32
    %c0_i32_1 = arith.constant 0 : i32
    return %add3A_0, %c0_i32 : i32, i32
  }
  func.func @transform_3(%arg0: i32) -> (i32, i32) {
    %add3A = arith.constant 18 : i32
    %add3A_0 = arith.addi %arg0, %add3A : i32
    %c0_i32 = arith.constant 0 : i32
    %c0_i32_1 = arith.constant 0 : i32
    return %add3A_0, %c0_i32 : i32, i32
  }
  func.func @transform_4(%arg0: i32) -> (i32, i32) {
    %c0_i32 = arith.constant 0 : i32
    %c0_i32_0 = arith.constant 0 : i32
    %c0_i32_1 = arith.constant 0 : i32
    return %c0_i32, %c0_i32_0 : i32, i32
  }
}

module attributes {stable_mosaic.version = 14 : i64} {
  func.func @_tc_mlp_body(%arg0: i32, %arg1: memref<24x2048xf32, #tpu.memory_space<vmem>>, %arg2: memref<128x2048xf32, #tpu.memory_space<vmem>>, %arg3: memref<2048x2048xf32, #tpu.memory_space<any>>, %arg4: memref<1x2048xf32, #tpu.memory_space<vmem>>, %arg5: memref<2048x16xf32, #tpu.memory_space<vmem>>, %arg6: memref<1x16xf32, #tpu.memory_space<vmem>>, %arg7: memref<4x16xf32, #tpu.memory_space<vmem>>, %arg8: memref<4x2xi32, #tpu.memory_space<vmem>>, %arg9: memref<2048x2048xf32, #tpu.memory_space<vmem>>, %arg10: memref<8x!tpu.dma_semaphore, #tpu.memory_space<semaphore_mem>>) attributes {dimension_semantics = [#tpu.dimension_semantics<arbitrary>], iteration_bounds = array<i64: 1>, scalar_prefetch = 0 : i64, scratch_operands = 2 : i64, tpu.core_type = #tpu.core_type<tc>, window_params = [{pipeline_mode = #tpu.pipeline_mode<synchronous>, transform_indices = @transform_0, window_bounds = array<i64: 24, 2048>}, {pipeline_mode = #tpu.pipeline_mode<synchronous>, transform_indices = @transform_1, window_bounds = array<i64: 128, 2048>}, {}, {pipeline_mode = #tpu.pipeline_mode<synchronous>, transform_indices = @transform_3, window_bounds = array<i64: 1, 2048>}, {pipeline_mode = #tpu.pipeline_mode<synchronous>, transform_indices = @transform_4, window_bounds = array<i64: 2048, 16>}, {pipeline_mode = #tpu.pipeline_mode<synchronous>, transform_indices = @transform_5, window_bounds = array<i64: 1, 16>}, {pipeline_mode = #tpu.pipeline_mode<synchronous>, transform_indices = @transform_6, window_bounds = array<i64: 4, 16>}, {pipeline_mode = #tpu.pipeline_mode<synchronous>, transform_indices = @transform_7, window_bounds = array<i64: 4, 2>}]} {
    %dma_start3A = arith.constant 0 : i32
    %dma_start3A_0 = tpu.memref_slice %arg10[%dma_start3A] : memref<8x!tpu.dma_semaphore, #tpu.memory_space<semaphore_mem>> -> memref<1x!tpu.dma_semaphore, #tpu.memory_space<semaphore_mem>>
    %dma_start3A_1 = tpu.memref_squeeze %dma_start3A_0 : memref<1x!tpu.dma_semaphore, #tpu.memory_space<semaphore_mem>> -> memref<!tpu.dma_semaphore, #tpu.memory_space<semaphore_mem>>
    %dma_start3A_2 = arith.constant 0 : i32
    %dma_start3A_3 = arith.constant 0 : i32
    %dma_start3A_4 = tpu.memref_slice %arg9[%dma_start3A_2, %dma_start3A_3] : memref<2048x2048xf32, #tpu.memory_space<vmem>> -> memref<256x2048xf32, #tpu.memory_space<vmem>>
    %dma_start3A_5 = arith.constant 0 : i32
    %dma_start3A_6 = arith.constant 0 : i32
    %dma_start3A_7 = tpu.memref_slice %arg3[%dma_start3A_5, %dma_start3A_6] : memref<2048x2048xf32, #tpu.memory_space<any>> -> memref<256x2048xf32, #tpu.memory_space<any>>
    tpu.enqueue_dma source(%dma_start3A_7 : memref<256x2048xf32, #tpu.memory_space<any>>) target(%dma_start3A_4 : memref<256x2048xf32, #tpu.memory_space<vmem>>) target_semaphore(%dma_start3A_1 : memref<!tpu.dma_semaphore, #tpu.memory_space<semaphore_mem>>)
    %dma_start3A_8 = arith.constant 1 : i32
    %dma_start3A_9 = tpu.memref_slice %arg10[%dma_start3A_8] : memref<8x!tpu.dma_semaphore, #tpu.memory_space<semaphore_mem>> -> memref<1x!tpu.dma_semaphore, #tpu.memory_space<semaphore_mem>>
    %dma_start3A_10 = tpu.memref_squeeze %dma_start3A_9 : memref<1x!tpu.dma_semaphore, #tpu.memory_space<semaphore_mem>> -> memref<!tpu.dma_semaphore, #tpu.memory_space<semaphore_mem>>
    %dma_start3A_11 = arith.constant 256 : i32
    %dma_start3A_12 = arith.constant 0 : i32
    %dma_start3A_13 = tpu.memref_slice %arg9[%dma_start3A_11, %dma_start3A_12] : memref<2048x2048xf32, #tpu.memory_space<vmem>> -> memref<256x2048xf32, #tpu.memory_space<vmem>>
    %dma_start3A_14 = arith.constant 256 : i32
    %dma_start3A_15 = arith.constant 0 : i32
    %dma_start3A_16 = tpu.memref_slice %arg3[%dma_start3A_14, %dma_start3A_15] : memref<2048x2048xf32, #tpu.memory_space<any>> -> memref<256x2048xf32, #tpu.memory_space<any>>
    tpu.enqueue_dma source(%dma_start3A_16 : memref<256x2048xf32, #tpu.memory_space<any>>) target(%dma_start3A_13 : memref<256x2048xf32, #tpu.memory_space<vmem>>) target_semaphore(%dma_start3A_10 : memref<!tpu.dma_semaphore, #tpu.memory_space<semaphore_mem>>)
    %dma_start3A_17 = arith.constant 2 : i32
    %dma_start3A_18 = tpu.memref_slice %arg10[%dma_start3A_17] : memref<8x!tpu.dma_semaphore, #tpu.memory_space<semaphore_mem>> -> memref<1x!tpu.dma_semaphore, #tpu.memory_space<semaphore_mem>>
    %dma_start3A_19 = tpu.memref_squeeze %dma_start3A_18 : memref<1x!tpu.dma_semaphore, #tpu.memory_space<semaphore_mem>> -> memref<!tpu.dma_semaphore, #tpu.memory_space<semaphore_mem>>
    %dma_start3A_20 = arith.constant 512 : i32
    %dma_start3A_21 = arith.constant 0 : i32
    %dma_start3A_22 = tpu.memref_slice %arg9[%dma_start3A_20, %dma_start3A_21] : memref<2048x2048xf32, #tpu.memory_space<vmem>> -> memref<256x2048xf32, #tpu.memory_space<vmem>>
    %dma_start3A_23 = arith.constant 512 : i32
    %dma_start3A_24 = arith.constant 0 : i32
    %dma_start3A_25 = tpu.memref_slice %arg3[%dma_start3A_23, %dma_start3A_24] : memref<2048x2048xf32, #tpu.memory_space<any>> -> memref<256x2048xf32, #tpu.memory_space<any>>
    tpu.enqueue_dma source(%dma_start3A_25 : memref<256x2048xf32, #tpu.memory_space<any>>) target(%dma_start3A_22 : memref<256x2048xf32, #tpu.memory_space<vmem>>) target_semaphore(%dma_start3A_19 : memref<!tpu.dma_semaphore, #tpu.memory_space<semaphore_mem>>)
    %dma_start3A_26 = arith.constant 3 : i32
    %dma_start3A_27 = tpu.memref_slice %arg10[%dma_start3A_26] : memref<8x!tpu.dma_semaphore, #tpu.memory_space<semaphore_mem>> -> memref<1x!tpu.dma_semaphore, #tpu.memory_space<semaphore_mem>>
    %dma_start3A_28 = tpu.memref_squeeze %dma_start3A_27 : memref<1x!tpu.dma_semaphore, #tpu.memory_space<semaphore_mem>> -> memref<!tpu.dma_semaphore, #tpu.memory_space<semaphore_mem>>
    %dma_start3A_29 = arith.constant 768 : i32
    %dma_start3A_30 = arith.constant 0 : i32
    %dma_start3A_31 = tpu.memref_slice %arg9[%dma_start3A_29, %dma_start3A_30] : memref<2048x2048xf32, #tpu.memory_space<vmem>> -> memref<256x2048xf32, #tpu.memory_space<vmem>>
    %dma_start3A_32 = arith.constant 768 : i32
    %dma_start3A_33 = arith.constant 0 : i32
    %dma_start3A_34 = tpu.memref_slice %arg3[%dma_start3A_32, %dma_start3A_33] : memref<2048x2048xf32, #tpu.memory_space<any>> -> memref<256x2048xf32, #tpu.memory_space<any>>
    tpu.enqueue_dma source(%dma_start3A_34 : memref<256x2048xf32, #tpu.memory_space<any>>) target(%dma_start3A_31 : memref<256x2048xf32, #tpu.memory_space<vmem>>) target_semaphore(%dma_start3A_28 : memref<!tpu.dma_semaphore, #tpu.memory_space<semaphore_mem>>)
    %dma_start3A_35 = arith.constant 4 : i32
    %dma_start3A_36 = tpu.memref_slice %arg10[%dma_start3A_35] : memref<8x!tpu.dma_semaphore, #tpu.memory_space<semaphore_mem>> -> memref<1x!tpu.dma_semaphore, #tpu.memory_space<semaphore_mem>>
    %dma_start3A_37 = tpu.memref_squeeze %dma_start3A_36 : memref<1x!tpu.dma_semaphore, #tpu.memory_space<semaphore_mem>> -> memref<!tpu.dma_semaphore, #tpu.memory_space<semaphore_mem>>
    %dma_start3A_38 = arith.constant 1024 : i32
    %dma_start3A_39 = arith.constant 0 : i32
    %dma_start3A_40 = tpu.memref_slice %arg9[%dma_start3A_38, %dma_start3A_39] : memref<2048x2048xf32, #tpu.memory_space<vmem>> -> memref<256x2048xf32, #tpu.memory_space<vmem>>
    %dma_start3A_41 = arith.constant 1024 : i32
    %dma_start3A_42 = arith.constant 0 : i32
    %dma_start3A_43 = tpu.memref_slice %arg3[%dma_start3A_41, %dma_start3A_42] : memref<2048x2048xf32, #tpu.memory_space<any>> -> memref<256x2048xf32, #tpu.memory_space<any>>
    tpu.enqueue_dma source(%dma_start3A_43 : memref<256x2048xf32, #tpu.memory_space<any>>) target(%dma_start3A_40 : memref<256x2048xf32, #tpu.memory_space<vmem>>) target_semaphore(%dma_start3A_37 : memref<!tpu.dma_semaphore, #tpu.memory_space<semaphore_mem>>)
    %dma_start3A_44 = arith.constant 5 : i32
    %dma_start3A_45 = tpu.memref_slice %arg10[%dma_start3A_44] : memref<8x!tpu.dma_semaphore, #tpu.memory_space<semaphore_mem>> -> memref<1x!tpu.dma_semaphore, #tpu.memory_space<semaphore_mem>>
    %dma_start3A_46 = tpu.memref_squeeze %dma_start3A_45 : memref<1x!tpu.dma_semaphore, #tpu.memory_space<semaphore_mem>> -> memref<!tpu.dma_semaphore, #tpu.memory_space<semaphore_mem>>
    %dma_start3A_47 = arith.constant 1280 : i32
    %dma_start3A_48 = arith.constant 0 : i32
    %dma_start3A_49 = tpu.memref_slice %arg9[%dma_start3A_47, %dma_start3A_48] : memref<2048x2048xf32, #tpu.memory_space<vmem>> -> memref<256x2048xf32, #tpu.memory_space<vmem>>
    %dma_start3A_50 = arith.constant 1280 : i32
    %dma_start3A_51 = arith.constant 0 : i32
    %dma_start3A_52 = tpu.memref_slice %arg3[%dma_start3A_50, %dma_start3A_51] : memref<2048x2048xf32, #tpu.memory_space<any>> -> memref<256x2048xf32, #tpu.memory_space<any>>
    tpu.enqueue_dma source(%dma_start3A_52 : memref<256x2048xf32, #tpu.memory_space<any>>) target(%dma_start3A_49 : memref<256x2048xf32, #tpu.memory_space<vmem>>) target_semaphore(%dma_start3A_46 : memref<!tpu.dma_semaphore, #tpu.memory_space<semaphore_mem>>)
    %dma_start3A_53 = arith.constant 6 : i32
    %dma_start3A_54 = tpu.memref_slice %arg10[%dma_start3A_53] : memref<8x!tpu.dma_semaphore, #tpu.memory_space<semaphore_mem>> -> memref<1x!tpu.dma_semaphore, #tpu.memory_space<semaphore_mem>>
    %dma_start3A_55 = tpu.memref_squeeze %dma_start3A_54 : memref<1x!tpu.dma_semaphore, #tpu.memory_space<semaphore_mem>> -> memref<!tpu.dma_semaphore, #tpu.memory_space<semaphore_mem>>
    %dma_start3A_56 = arith.constant 1536 : i32
    %dma_start3A_57 = arith.constant 0 : i32
    %dma_start3A_58 = tpu.memref_slice %arg9[%dma_start3A_56, %dma_start3A_57] : memref<2048x2048xf32, #tpu.memory_space<vmem>> -> memref<256x2048xf32, #tpu.memory_space<vmem>>
    %dma_start3A_59 = arith.constant 1536 : i32
    %dma_start3A_60 = arith.constant 0 : i32
    %dma_start3A_61 = tpu.memref_slice %arg3[%dma_start3A_59, %dma_start3A_60] : memref<2048x2048xf32, #tpu.memory_space<any>> -> memref<256x2048xf32, #tpu.memory_space<any>>
    tpu.enqueue_dma source(%dma_start3A_61 : memref<256x2048xf32, #tpu.memory_space<any>>) target(%dma_start3A_58 : memref<256x2048xf32, #tpu.memory_space<vmem>>) target_semaphore(%dma_start3A_55 : memref<!tpu.dma_semaphore, #tpu.memory_space<semaphore_mem>>)
    %dma_start3A_62 = arith.constant 7 : i32
    %dma_start3A_63 = tpu.memref_slice %arg10[%dma_start3A_62] : memref<8x!tpu.dma_semaphore, #tpu.memory_space<semaphore_mem>> -> memref<1x!tpu.dma_semaphore, #tpu.memory_space<semaphore_mem>>
    %dma_start3A_64 = tpu.memref_squeeze %dma_start3A_63 : memref<1x!tpu.dma_semaphore, #tpu.memory_space<semaphore_mem>> -> memref<!tpu.dma_semaphore, #tpu.memory_space<semaphore_mem>>
    %dma_start3A_65 = arith.constant 1792 : i32
    %dma_start3A_66 = arith.constant 0 : i32
    %dma_start3A_67 = tpu.memref_slice %arg9[%dma_start3A_65, %dma_start3A_66] : memref<2048x2048xf32, #tpu.memory_space<vmem>> -> memref<256x2048xf32, #tpu.memory_space<vmem>>
    %dma_start3A_68 = arith.constant 1792 : i32
    %dma_start3A_69 = arith.constant 0 : i32
    %dma_start3A_70 = tpu.memref_slice %arg3[%dma_start3A_68, %dma_start3A_69] : memref<2048x2048xf32, #tpu.memory_space<any>> -> memref<256x2048xf32, #tpu.memory_space<any>>
    tpu.enqueue_dma source(%dma_start3A_70 : memref<256x2048xf32, #tpu.memory_space<any>>) target(%dma_start3A_67 : memref<256x2048xf32, #tpu.memory_space<vmem>>) target_semaphore(%dma_start3A_64 : memref<!tpu.dma_semaphore, #tpu.memory_space<semaphore_mem>>)
    %iota3A = tpu.iota {dimensions = array<i32: 0>} : vector<4x24xi32>
    %iota3A_71 = tpu.iota {dimensions = array<i32: 1>} : vector<4x24xi32>
    %jit3A = arith.constant 8 : i32
    %div3A = vector.broadcast %jit3A : i32 to vector<4x24xi32>
    %div3A_72 = arith.divsi %iota3A_71, %div3A : vector<4x24xi32>
    %sign3A = arith.constant 0 : i32
    %sign3A_73 = vector.broadcast %sign3A : i32 to vector<4x24xi32>
    %sign3A_74 = arith.cmpi sgt, %iota3A_71, %sign3A_73 : vector<4x24xi32>
    %sign3A_75 = arith.extui %sign3A_74 : vector<4x24xi1> to vector<4x24xi32>
    %sign3A_76 = arith.constant 0 : i32
    %sign3A_77 = vector.broadcast %sign3A_76 : i32 to vector<4x24xi32>
    %sign3A_78 = arith.cmpi slt, %iota3A_71, %sign3A_77 : vector<4x24xi32>
    %sign3A_79 = arith.extui %sign3A_78 : vector<4x24xi1> to vector<4x24xi32>
    %sign3A_80 = arith.subi %sign3A_75, %sign3A_79 : vector<4x24xi32>
    %sign3A_81 = arith.constant 0 : i32
    %sign3A_82 = arith.cmpi sgt, %jit3A, %sign3A_81 : i32
    %sign3A_83 = arith.extui %sign3A_82 : i1 to i32
    %sign3A_84 = arith.constant 0 : i32
    %sign3A_85 = arith.cmpi slt, %jit3A, %sign3A_84 : i32
    %sign3A_86 = arith.extui %sign3A_85 : i1 to i32
    %sign3A_87 = arith.subi %sign3A_83, %sign3A_86 : i32
    %ne3A = vector.broadcast %sign3A_87 : i32 to vector<4x24xi32>
    %ne3A_88 = arith.cmpi ne, %sign3A_80, %ne3A : vector<4x24xi32>
    %rem3A = vector.broadcast %jit3A : i32 to vector<4x24xi32>
    %rem3A_89 = arith.remsi %iota3A_71, %rem3A : vector<4x24xi32>
    %ne3A_90 = arith.constant 0 : i32
    %ne3A_91 = vector.broadcast %ne3A_90 : i32 to vector<4x24xi32>
    %ne3A_92 = arith.cmpi ne, %rem3A_89, %ne3A_91 : vector<4x24xi32>
    %and3A = arith.andi %ne3A_88, %ne3A_92 : vector<4x24xi1>
    %sub3A = arith.constant 1 : i32
    %sub3A_93 = vector.broadcast %sub3A : i32 to vector<4x24xi32>
    %sub3A_94 = arith.subi %div3A_72, %sub3A_93 : vector<4x24xi32>
    %select_n3A = arith.select %and3A, %sub3A_94, %div3A_72 : vector<4x24xi1>, vector<4x24xi32>
    %eq3A = arith.cmpi eq, %select_n3A, %iota3A : vector<4x24xi32>
    %convert_element_type3A = arith.extui %eq3A : vector<4x24xi1> to vector<4x24xi32>
    %convert_element_type3A_95 = arith.sitofp %convert_element_type3A : vector<4x24xi32> to vector<4x24xf32>
    %mul3A = arith.constant 4.8828125E-4 : f32
    %mul3A_96 = vector.broadcast %mul3A : f32 to vector<4x24xf32>
    %mul3A_97 = arith.mulf %convert_element_type3A_95, %mul3A_96 : vector<4x24xf32>
    %iota3A_98 = tpu.iota {dimensions = array<i32: 0>} : vector<4x128xi32>
    %iota3A_99 = tpu.iota {dimensions = array<i32: 1>} : vector<4x128xi32>
    %jit3A_100 = arith.constant 128 : i32
    %div3A_101 = vector.broadcast %jit3A_100 : i32 to vector<4x128xi32>
    %div3A_102 = arith.divsi %iota3A_99, %div3A_101 : vector<4x128xi32>
    %sign3A_103 = arith.constant 0 : i32
    %sign3A_104 = vector.broadcast %sign3A_103 : i32 to vector<4x128xi32>
    %sign3A_105 = arith.cmpi sgt, %iota3A_99, %sign3A_104 : vector<4x128xi32>
    %sign3A_106 = arith.extui %sign3A_105 : vector<4x128xi1> to vector<4x128xi32>
    %sign3A_107 = arith.constant 0 : i32
    %sign3A_108 = vector.broadcast %sign3A_107 : i32 to vector<4x128xi32>
    %sign3A_109 = arith.cmpi slt, %iota3A_99, %sign3A_108 : vector<4x128xi32>
    %sign3A_110 = arith.extui %sign3A_109 : vector<4x128xi1> to vector<4x128xi32>
    %sign3A_111 = arith.subi %sign3A_106, %sign3A_110 : vector<4x128xi32>
    %sign3A_112 = arith.constant 0 : i32
    %sign3A_113 = arith.cmpi sgt, %jit3A_100, %sign3A_112 : i32
    %sign3A_114 = arith.extui %sign3A_113 : i1 to i32
    %sign3A_115 = arith.constant 0 : i32
    %sign3A_116 = arith.cmpi slt, %jit3A_100, %sign3A_115 : i32
    %sign3A_117 = arith.extui %sign3A_116 : i1 to i32
    %sign3A_118 = arith.subi %sign3A_114, %sign3A_117 : i32
    %ne3A_119 = vector.broadcast %sign3A_118 : i32 to vector<4x128xi32>
    %ne3A_120 = arith.cmpi ne, %sign3A_111, %ne3A_119 : vector<4x128xi32>
    %rem3A_121 = vector.broadcast %jit3A_100 : i32 to vector<4x128xi32>
    %rem3A_122 = arith.remsi %iota3A_99, %rem3A_121 : vector<4x128xi32>
    %ne3A_123 = arith.constant 0 : i32
    %ne3A_124 = vector.broadcast %ne3A_123 : i32 to vector<4x128xi32>
    %ne3A_125 = arith.cmpi ne, %rem3A_122, %ne3A_124 : vector<4x128xi32>
    %and3A_126 = arith.andi %ne3A_120, %ne3A_125 : vector<4x128xi1>
    %sub3A_127 = arith.constant 1 : i32
    %sub3A_128 = vector.broadcast %sub3A_127 : i32 to vector<4x128xi32>
    %sub3A_129 = arith.subi %div3A_102, %sub3A_128 : vector<4x128xi32>
    %select_n3A_130 = arith.select %and3A_126, %sub3A_129, %div3A_102 : vector<4x128xi1>, vector<4x128xi32>
    %add3A = arith.constant 3 : i32
    %add3A_131 = vector.broadcast %add3A : i32 to vector<4x128xi32>
    %add3A_132 = arith.addi %select_n3A_130, %add3A_131 : vector<4x128xi32>
    %eq3A_133 = arith.cmpi eq, %add3A_132, %iota3A_98 : vector<4x128xi32>
    %convert_element_type3A_134 = arith.extui %eq3A_133 : vector<4x128xi1> to vector<4x128xi32>
    %convert_element_type3A_135 = arith.sitofp %convert_element_type3A_134 : vector<4x128xi32> to vector<4x128xf32>
    %mul3A_136 = arith.constant 4.8828125E-4 : f32
    %mul3A_137 = vector.broadcast %mul3A_136 : f32 to vector<4x128xf32>
    %mul3A_138 = arith.mulf %convert_element_type3A_135, %mul3A_137 : vector<4x128xf32>
    %get3A = arith.constant 0 : index
    %get3A_139 = arith.constant 0 : index
    %get3A_140 = vector.load %arg1[%get3A, %get3A_139] : memref<24x2048xf32, #tpu.memory_space<vmem>>, vector<24x2048xf32>
    %dot_general3A = arith.constant dense<0.000000e+00> : vector<4x2048xf32>
    %dot_general3A_141 = tpu.matmul %mul3A_97, %get3A_140, %dot_general3A {dimension_numbers = #tpu.dot_dimension_numbers<[1], [0], [0], [1], [0, 0, 1, 1], [], []>, transpose_lhs_hint = false} : vector<4x24xf32>, vector<24x2048xf32>, vector<4x2048xf32> -> vector<4x2048xf32>
    %get3A_142 = arith.constant 0 : index
    %get3A_143 = arith.constant 0 : index
    %get3A_144 = vector.load %arg2[%get3A_142, %get3A_143] : memref<128x2048xf32, #tpu.memory_space<vmem>>, vector<128x2048xf32>
    %dot_general3A_145 = arith.constant dense<0.000000e+00> : vector<4x2048xf32>
    %dot_general3A_146 = tpu.matmul %mul3A_138, %get3A_144, %dot_general3A_145 {dimension_numbers = #tpu.dot_dimension_numbers<[1], [0], [0], [1], [0, 0, 1, 1], [], []>, transpose_lhs_hint = false} : vector<4x128xf32>, vector<128x2048xf32>, vector<4x2048xf32> -> vector<4x2048xf32>
    %add3A_147 = arith.addf %dot_general3A_141, %dot_general3A_146 : vector<4x2048xf32>
    %dma_wait3A = arith.constant 0 : i32
    %dma_wait3A_148 = tpu.memref_slice %arg10[%dma_wait3A] : memref<8x!tpu.dma_semaphore, #tpu.memory_space<semaphore_mem>> -> memref<1x!tpu.dma_semaphore, #tpu.memory_space<semaphore_mem>>
    %dma_wait3A_149 = tpu.memref_squeeze %dma_wait3A_148 : memref<1x!tpu.dma_semaphore, #tpu.memory_space<semaphore_mem>> -> memref<!tpu.dma_semaphore, #tpu.memory_space<semaphore_mem>>
    %dma_wait3A_150 = arith.constant 0 : i32
    %dma_wait3A_151 = arith.constant 0 : i32
    %dma_wait3A_152 = tpu.memref_slice %arg9[%dma_wait3A_150, %dma_wait3A_151] : memref<2048x2048xf32, #tpu.memory_space<vmem>> -> memref<256x2048xf32, #tpu.memory_space<vmem>>
    %dma_wait3A_153 = arith.constant 0 : i32
    %dma_wait3A_154 = arith.constant 0 : i32
    %dma_wait3A_155 = tpu.memref_slice %arg3[%dma_wait3A_153, %dma_wait3A_154] : memref<2048x2048xf32, #tpu.memory_space<any>> -> memref<256x2048xf32, #tpu.memory_space<any>>
    tpu.wait_dma2 semaphore(%dma_wait3A_149 : memref<!tpu.dma_semaphore, #tpu.memory_space<semaphore_mem>>) src(%dma_wait3A_155 : memref<256x2048xf32, #tpu.memory_space<any>>) dst(%dma_wait3A_152 : memref<256x2048xf32, #tpu.memory_space<vmem>>)
    %dma_wait3A_156 = arith.constant 1 : i32
    %dma_wait3A_157 = tpu.memref_slice %arg10[%dma_wait3A_156] : memref<8x!tpu.dma_semaphore, #tpu.memory_space<semaphore_mem>> -> memref<1x!tpu.dma_semaphore, #tpu.memory_space<semaphore_mem>>
    %dma_wait3A_158 = tpu.memref_squeeze %dma_wait3A_157 : memref<1x!tpu.dma_semaphore, #tpu.memory_space<semaphore_mem>> -> memref<!tpu.dma_semaphore, #tpu.memory_space<semaphore_mem>>
    %dma_wait3A_159 = arith.constant 256 : i32
    %dma_wait3A_160 = arith.constant 0 : i32
    %dma_wait3A_161 = tpu.memref_slice %arg9[%dma_wait3A_159, %dma_wait3A_160] : memref<2048x2048xf32, #tpu.memory_space<vmem>> -> memref<256x2048xf32, #tpu.memory_space<vmem>>
    %dma_wait3A_162 = arith.constant 256 : i32
    %dma_wait3A_163 = arith.constant 0 : i32
    %dma_wait3A_164 = tpu.memref_slice %arg3[%dma_wait3A_162, %dma_wait3A_163] : memref<2048x2048xf32, #tpu.memory_space<any>> -> memref<256x2048xf32, #tpu.memory_space<any>>
    tpu.wait_dma2 semaphore(%dma_wait3A_158 : memref<!tpu.dma_semaphore, #tpu.memory_space<semaphore_mem>>) src(%dma_wait3A_164 : memref<256x2048xf32, #tpu.memory_space<any>>) dst(%dma_wait3A_161 : memref<256x2048xf32, #tpu.memory_space<vmem>>)
    %dma_wait3A_165 = arith.constant 2 : i32
    %dma_wait3A_166 = tpu.memref_slice %arg10[%dma_wait3A_165] : memref<8x!tpu.dma_semaphore, #tpu.memory_space<semaphore_mem>> -> memref<1x!tpu.dma_semaphore, #tpu.memory_space<semaphore_mem>>
    %dma_wait3A_167 = tpu.memref_squeeze %dma_wait3A_166 : memref<1x!tpu.dma_semaphore, #tpu.memory_space<semaphore_mem>> -> memref<!tpu.dma_semaphore, #tpu.memory_space<semaphore_mem>>
    %dma_wait3A_168 = arith.constant 512 : i32
    %dma_wait3A_169 = arith.constant 0 : i32
    %dma_wait3A_170 = tpu.memref_slice %arg9[%dma_wait3A_168, %dma_wait3A_169] : memref<2048x2048xf32, #tpu.memory_space<vmem>> -> memref<256x2048xf32, #tpu.memory_space<vmem>>
    %dma_wait3A_171 = arith.constant 512 : i32
    %dma_wait3A_172 = arith.constant 0 : i32
    %dma_wait3A_173 = tpu.memref_slice %arg3[%dma_wait3A_171, %dma_wait3A_172] : memref<2048x2048xf32, #tpu.memory_space<any>> -> memref<256x2048xf32, #tpu.memory_space<any>>
    tpu.wait_dma2 semaphore(%dma_wait3A_167 : memref<!tpu.dma_semaphore, #tpu.memory_space<semaphore_mem>>) src(%dma_wait3A_173 : memref<256x2048xf32, #tpu.memory_space<any>>) dst(%dma_wait3A_170 : memref<256x2048xf32, #tpu.memory_space<vmem>>)
    %dma_wait3A_174 = arith.constant 3 : i32
    %dma_wait3A_175 = tpu.memref_slice %arg10[%dma_wait3A_174] : memref<8x!tpu.dma_semaphore, #tpu.memory_space<semaphore_mem>> -> memref<1x!tpu.dma_semaphore, #tpu.memory_space<semaphore_mem>>
    %dma_wait3A_176 = tpu.memref_squeeze %dma_wait3A_175 : memref<1x!tpu.dma_semaphore, #tpu.memory_space<semaphore_mem>> -> memref<!tpu.dma_semaphore, #tpu.memory_space<semaphore_mem>>
    %dma_wait3A_177 = arith.constant 768 : i32
    %dma_wait3A_178 = arith.constant 0 : i32
    %dma_wait3A_179 = tpu.memref_slice %arg9[%dma_wait3A_177, %dma_wait3A_178] : memref<2048x2048xf32, #tpu.memory_space<vmem>> -> memref<256x2048xf32, #tpu.memory_space<vmem>>
    %dma_wait3A_180 = arith.constant 768 : i32
    %dma_wait3A_181 = arith.constant 0 : i32
    %dma_wait3A_182 = tpu.memref_slice %arg3[%dma_wait3A_180, %dma_wait3A_181] : memref<2048x2048xf32, #tpu.memory_space<any>> -> memref<256x2048xf32, #tpu.memory_space<any>>
    tpu.wait_dma2 semaphore(%dma_wait3A_176 : memref<!tpu.dma_semaphore, #tpu.memory_space<semaphore_mem>>) src(%dma_wait3A_182 : memref<256x2048xf32, #tpu.memory_space<any>>) dst(%dma_wait3A_179 : memref<256x2048xf32, #tpu.memory_space<vmem>>)
    %dma_wait3A_183 = arith.constant 4 : i32
    %dma_wait3A_184 = tpu.memref_slice %arg10[%dma_wait3A_183] : memref<8x!tpu.dma_semaphore, #tpu.memory_space<semaphore_mem>> -> memref<1x!tpu.dma_semaphore, #tpu.memory_space<semaphore_mem>>
    %dma_wait3A_185 = tpu.memref_squeeze %dma_wait3A_184 : memref<1x!tpu.dma_semaphore, #tpu.memory_space<semaphore_mem>> -> memref<!tpu.dma_semaphore, #tpu.memory_space<semaphore_mem>>
    %dma_wait3A_186 = arith.constant 1024 : i32
    %dma_wait3A_187 = arith.constant 0 : i32
    %dma_wait3A_188 = tpu.memref_slice %arg9[%dma_wait3A_186, %dma_wait3A_187] : memref<2048x2048xf32, #tpu.memory_space<vmem>> -> memref<256x2048xf32, #tpu.memory_space<vmem>>
    %dma_wait3A_189 = arith.constant 1024 : i32
    %dma_wait3A_190 = arith.constant 0 : i32
    %dma_wait3A_191 = tpu.memref_slice %arg3[%dma_wait3A_189, %dma_wait3A_190] : memref<2048x2048xf32, #tpu.memory_space<any>> -> memref<256x2048xf32, #tpu.memory_space<any>>
    tpu.wait_dma2 semaphore(%dma_wait3A_185 : memref<!tpu.dma_semaphore, #tpu.memory_space<semaphore_mem>>) src(%dma_wait3A_191 : memref<256x2048xf32, #tpu.memory_space<any>>) dst(%dma_wait3A_188 : memref<256x2048xf32, #tpu.memory_space<vmem>>)
    %dma_wait3A_192 = arith.constant 5 : i32
    %dma_wait3A_193 = tpu.memref_slice %arg10[%dma_wait3A_192] : memref<8x!tpu.dma_semaphore, #tpu.memory_space<semaphore_mem>> -> memref<1x!tpu.dma_semaphore, #tpu.memory_space<semaphore_mem>>
    %dma_wait3A_194 = tpu.memref_squeeze %dma_wait3A_193 : memref<1x!tpu.dma_semaphore, #tpu.memory_space<semaphore_mem>> -> memref<!tpu.dma_semaphore, #tpu.memory_space<semaphore_mem>>
    %dma_wait3A_195 = arith.constant 1280 : i32
    %dma_wait3A_196 = arith.constant 0 : i32
    %dma_wait3A_197 = tpu.memref_slice %arg9[%dma_wait3A_195, %dma_wait3A_196] : memref<2048x2048xf32, #tpu.memory_space<vmem>> -> memref<256x2048xf32, #tpu.memory_space<vmem>>
    %dma_wait3A_198 = arith.constant 1280 : i32
    %dma_wait3A_199 = arith.constant 0 : i32
    %dma_wait3A_200 = tpu.memref_slice %arg3[%dma_wait3A_198, %dma_wait3A_199] : memref<2048x2048xf32, #tpu.memory_space<any>> -> memref<256x2048xf32, #tpu.memory_space<any>>
    tpu.wait_dma2 semaphore(%dma_wait3A_194 : memref<!tpu.dma_semaphore, #tpu.memory_space<semaphore_mem>>) src(%dma_wait3A_200 : memref<256x2048xf32, #tpu.memory_space<any>>) dst(%dma_wait3A_197 : memref<256x2048xf32, #tpu.memory_space<vmem>>)
    %dma_wait3A_201 = arith.constant 6 : i32
    %dma_wait3A_202 = tpu.memref_slice %arg10[%dma_wait3A_201] : memref<8x!tpu.dma_semaphore, #tpu.memory_space<semaphore_mem>> -> memref<1x!tpu.dma_semaphore, #tpu.memory_space<semaphore_mem>>
    %dma_wait3A_203 = tpu.memref_squeeze %dma_wait3A_202 : memref<1x!tpu.dma_semaphore, #tpu.memory_space<semaphore_mem>> -> memref<!tpu.dma_semaphore, #tpu.memory_space<semaphore_mem>>
    %dma_wait3A_204 = arith.constant 1536 : i32
    %dma_wait3A_205 = arith.constant 0 : i32
    %dma_wait3A_206 = tpu.memref_slice %arg9[%dma_wait3A_204, %dma_wait3A_205] : memref<2048x2048xf32, #tpu.memory_space<vmem>> -> memref<256x2048xf32, #tpu.memory_space<vmem>>
    %dma_wait3A_207 = arith.constant 1536 : i32
    %dma_wait3A_208 = arith.constant 0 : i32
    %dma_wait3A_209 = tpu.memref_slice %arg3[%dma_wait3A_207, %dma_wait3A_208] : memref<2048x2048xf32, #tpu.memory_space<any>> -> memref<256x2048xf32, #tpu.memory_space<any>>
    tpu.wait_dma2 semaphore(%dma_wait3A_203 : memref<!tpu.dma_semaphore, #tpu.memory_space<semaphore_mem>>) src(%dma_wait3A_209 : memref<256x2048xf32, #tpu.memory_space<any>>) dst(%dma_wait3A_206 : memref<256x2048xf32, #tpu.memory_space<vmem>>)
    %dma_wait3A_210 = arith.constant 7 : i32
    %dma_wait3A_211 = tpu.memref_slice %arg10[%dma_wait3A_210] : memref<8x!tpu.dma_semaphore, #tpu.memory_space<semaphore_mem>> -> memref<1x!tpu.dma_semaphore, #tpu.memory_space<semaphore_mem>>
    %dma_wait3A_212 = tpu.memref_squeeze %dma_wait3A_211 : memref<1x!tpu.dma_semaphore, #tpu.memory_space<semaphore_mem>> -> memref<!tpu.dma_semaphore, #tpu.memory_space<semaphore_mem>>
    %dma_wait3A_213 = arith.constant 1792 : i32
    %dma_wait3A_214 = arith.constant 0 : i32
    %dma_wait3A_215 = tpu.memref_slice %arg9[%dma_wait3A_213, %dma_wait3A_214] : memref<2048x2048xf32, #tpu.memory_space<vmem>> -> memref<256x2048xf32, #tpu.memory_space<vmem>>
    %dma_wait3A_216 = arith.constant 1792 : i32
    %dma_wait3A_217 = arith.constant 0 : i32
    %dma_wait3A_218 = tpu.memref_slice %arg3[%dma_wait3A_216, %dma_wait3A_217] : memref<2048x2048xf32, #tpu.memory_space<any>> -> memref<256x2048xf32, #tpu.memory_space<any>>
    tpu.wait_dma2 semaphore(%dma_wait3A_212 : memref<!tpu.dma_semaphore, #tpu.memory_space<semaphore_mem>>) src(%dma_wait3A_218 : memref<256x2048xf32, #tpu.memory_space<any>>) dst(%dma_wait3A_215 : memref<256x2048xf32, #tpu.memory_space<vmem>>)
    %get3A_219 = arith.constant 0 : index
    %get3A_220 = arith.constant 0 : index
    %get3A_221 = vector.load %arg9[%get3A_219, %get3A_220] : memref<2048x2048xf32, #tpu.memory_space<vmem>>, vector<2048x2048xf32>
    %dot_general3A_222 = arith.constant dense<0.000000e+00> : vector<4x2048xf32>
    %dot_general3A_223 = tpu.matmul %add3A_147, %get3A_221, %dot_general3A_222 {dimension_numbers = #tpu.dot_dimension_numbers<[1], [0], [0], [1], [0, 0, 1, 1], [], []>, transpose_lhs_hint = false} : vector<4x2048xf32>, vector<2048x2048xf32>, vector<4x2048xf32> -> vector<4x2048xf32>
    %get3A_224 = arith.constant 0 : index
    %get3A_225 = arith.constant 0 : index
    %get3A_226 = vector.load %arg4[%get3A_224, %get3A_225] : memref<1x2048xf32, #tpu.memory_space<vmem>>, vector<1x2048xf32>
    %add3A_227 = vector.broadcast %get3A_226 : vector<1x2048xf32> to vector<4x2048xf32>
    %add3A_228 = arith.addf %dot_general3A_223, %add3A_227 : vector<4x2048xf32>
    %max3A = arith.constant 0.000000e+00 : f32
    %max3A_229 = vector.broadcast %max3A : f32 to vector<4x2048xf32>
    %max3A_230 = arith.maximumf %add3A_228, %max3A_229 : vector<4x2048xf32>
    %get3A_231 = arith.constant 0 : index
    %get3A_232 = arith.constant 0 : index
    %get3A_233 = vector.load %arg5[%get3A_231, %get3A_232] : memref<2048x16xf32, #tpu.memory_space<vmem>>, vector<2048x16xf32>
    %dot_general3A_234 = arith.constant dense<0.000000e+00> : vector<4x16xf32>
    %dot_general3A_235 = tpu.matmul %max3A_230, %get3A_233, %dot_general3A_234 {dimension_numbers = #tpu.dot_dimension_numbers<[1], [0], [0], [1], [0, 0, 1, 1], [], []>, transpose_lhs_hint = false} : vector<4x2048xf32>, vector<2048x16xf32>, vector<4x16xf32> -> vector<4x16xf32>
    %get3A_236 = arith.constant 0 : index
    %get3A_237 = arith.constant 0 : index
    %get3A_238 = vector.load %arg6[%get3A_236, %get3A_237] : memref<1x16xf32, #tpu.memory_space<vmem>>, vector<1x16xf32>
    %add3A_239 = vector.broadcast %get3A_238 : vector<1x16xf32> to vector<4x16xf32>
    %add3A_240 = arith.addf %dot_general3A_235, %add3A_239 : vector<4x16xf32>
    %reduce_max3A = arith.constant dense<0xFF800000> : vector<4xf32>
    %reduce_max3A_241 = vector.multi_reduction <maximumf>, %add3A_240, %reduce_max3A [1] : vector<4x16xf32> to vector<4xf32>
    %broadcast_in_dim3A = vector.shape_cast %reduce_max3A_241 : vector<4xf32> to vector<4x1xf32>
    %sub3A_242 = vector.broadcast %broadcast_in_dim3A : vector<4x1xf32> to vector<4x16xf32>
    %sub3A_243 = arith.subf %add3A_240, %sub3A_242 : vector<4x16xf32>
    %exp3A = math.exp %sub3A_243 : vector<4x16xf32>
    %reduce_sum3A = arith.constant dense<0.000000e+00> : vector<4xf32>
    %reduce_sum3A_244 = vector.multi_reduction <add>, %exp3A, %reduce_sum3A [1] : vector<4x16xf32> to vector<4xf32>
    %broadcast_in_dim3A_245 = vector.shape_cast %reduce_sum3A_244 : vector<4xf32> to vector<4x1xf32>
    %div3A_246 = vector.broadcast %broadcast_in_dim3A_245 : vector<4x1xf32> to vector<4x16xf32>
    %div3A_247 = arith.divf %exp3A, %div3A_246 : vector<4x16xf32>
    %swap3A = arith.constant 0 : index
    %swap3A_248 = arith.constant 0 : index
    %swap3A_249 = vector.load %arg7[%swap3A, %swap3A_248] : memref<4x16xf32, #tpu.memory_space<vmem>>, vector<4x16xf32>
    tpu.vector_store %arg7[%swap3A, %swap3A_248], %div3A_247 {strides = array<i32>} : memref<4x16xf32, #tpu.memory_space<vmem>>, vector<4x16xf32>,
    %iota3A_250 = tpu.iota {dimensions = array<i32: 1>} : vector<4x16xi32>
    %reduce_max3A_251 = arith.constant dense<0xFF800000> : vector<4xf32>
    %reduce_max3A_252 = vector.multi_reduction <maximumf>, %div3A_247, %reduce_max3A_251 [1] : vector<4x16xf32> to vector<4xf32>
    %broadcast_in_dim3A_253 = vector.shape_cast %reduce_max3A_252 : vector<4xf32> to vector<4x1xf32>
    %eq3A_254 = vector.broadcast %broadcast_in_dim3A_253 : vector<4x1xf32> to vector<4x16xf32>
    %eq3A_255 = arith.cmpf oeq, %div3A_247, %eq3A_254 : vector<4x16xf32>
    %jit3A_256 = arith.constant 16 : i32
    %broadcast_in_dim3A_257 = vector.broadcast %jit3A_256 : i32 to vector<4x16xi32>
    %select_n3A_258 = arith.select %eq3A_255, %iota3A_250, %broadcast_in_dim3A_257 : vector<4x16xi1>, vector<4x16xi32>
    %reduce_min3A = arith.constant dense<2147483647> : vector<4xi32>
    %reduce_min3A_259 = vector.multi_reduction <minsi>, %select_n3A_258, %reduce_min3A [1] : vector<4x16xi32> to vector<4xi32>
    %broadcast_in_dim3A_260 = vector.shape_cast %reduce_min3A_259 : vector<4xi32> to vector<4x1xi32>
    %eq3A_261 = vector.broadcast %broadcast_in_dim3A_260 : vector<4x1xi32> to vector<4x16xi32>
    %eq3A_262 = arith.cmpi eq, %iota3A_250, %eq3A_261 : vector<4x16xi32>
    %jit3A_263 = arith.constant 0xFF800000 : f32
    %broadcast_in_dim3A_264 = vector.broadcast %jit3A_263 : f32 to vector<4x16xf32>
    %select_n3A_265 = arith.select %eq3A_262, %broadcast_in_dim3A_264, %div3A_247 : vector<4x16xi1>, vector<4x16xf32>
    %reduce_max3A_266 = arith.constant dense<0xFF800000> : vector<4xf32>
    %reduce_max3A_267 = vector.multi_reduction <maximumf>, %select_n3A_265, %reduce_max3A_266 [1] : vector<4x16xf32> to vector<4xf32>
    %broadcast_in_dim3A_268 = vector.shape_cast %reduce_max3A_267 : vector<4xf32> to vector<4x1xf32>
    %eq3A_269 = vector.broadcast %broadcast_in_dim3A_268 : vector<4x1xf32> to vector<4x16xf32>
    %eq3A_270 = arith.cmpf oeq, %select_n3A_265, %eq3A_269 : vector<4x16xf32>
    %jit3A_271 = arith.constant 16 : i32
    %broadcast_in_dim3A_272 = vector.broadcast %jit3A_271 : i32 to vector<4x16xi32>
    %select_n3A_273 = arith.select %eq3A_270, %iota3A_250, %broadcast_in_dim3A_272 : vector<4x16xi1>, vector<4x16xi32>
    %reduce_min3A_274 = arith.constant dense<2147483647> : vector<4xi32>
    %reduce_min3A_275 = vector.multi_reduction <minsi>, %select_n3A_273, %reduce_min3A_274 [1] : vector<4x16xi32> to vector<4xi32>
    %broadcast_in_dim3A_276 = vector.shape_cast %reduce_min3A_275 : vector<4xi32> to vector<4x1xi32>
    %iota3A_277 = tpu.iota {dimensions = array<i32: 1>} : vector<4x2xi32>
    %eq3A_278 = arith.constant 0 : i32
    %eq3A_279 = vector.broadcast %eq3A_278 : i32 to vector<4x2xi32>
    %eq3A_280 = arith.cmpi eq, %iota3A_277, %eq3A_279 : vector<4x2xi32>
    %broadcast_in_dim3A_281 = vector.shape_cast %broadcast_in_dim3A_260 : vector<4x1xi32> to vector<4x1xi32>
    %broadcast_in_dim3A_282 = vector.broadcast %broadcast_in_dim3A_281 : vector<4x1xi32> to vector<4x2xi32>
    %broadcast_in_dim3A_283 = vector.shape_cast %broadcast_in_dim3A_276 : vector<4x1xi32> to vector<4x1xi32>
    %broadcast_in_dim3A_284 = vector.broadcast %broadcast_in_dim3A_283 : vector<4x1xi32> to vector<4x2xi32>
    %select_n3A_285 = arith.select %eq3A_280, %broadcast_in_dim3A_282, %broadcast_in_dim3A_284 : vector<4x2xi1>, vector<4x2xi32>
    %swap3A_286 = arith.constant 0 : index
    %swap3A_287 = arith.constant 0 : index
    %swap3A_288 = vector.load %arg8[%swap3A_286, %swap3A_287] : memref<4x2xi32, #tpu.memory_space<vmem>>, vector<4x2xi32>
    tpu.vector_store %arg8[%swap3A_286, %swap3A_287], %select_n3A_285 {strides = array<i32>} : memref<4x2xi32, #tpu.memory_space<vmem>>, vector<4x2xi32>,
    return
  }
  func.func @transform_0(%arg0: i32) -> (i32, i32) {
    %c0_i32 = arith.constant 0 : i32
    %c0_i32_0 = arith.constant 0 : i32
    %c0_i32_1 = arith.constant 0 : i32
    return %c0_i32, %c0_i32_0 : i32, i32
  }
  func.func @transform_1(%arg0: i32) -> (i32, i32) {
    %c0_i32 = arith.constant 0 : i32
    %c0_i32_0 = arith.constant 0 : i32
    %c0_i32_1 = arith.constant 0 : i32
    return %c0_i32, %c0_i32_0 : i32, i32
  }
  func.func @transform_3(%arg0: i32) -> (i32, i32) {
    %c0_i32 = arith.constant 0 : i32
    %c0_i32_0 = arith.constant 0 : i32
    %c0_i32_1 = arith.constant 0 : i32
    return %c0_i32, %c0_i32_0 : i32, i32
  }
  func.func @transform_4(%arg0: i32) -> (i32, i32) {
    %c0_i32 = arith.constant 0 : i32
    %c0_i32_0 = arith.constant 0 : i32
    %c0_i32_1 = arith.constant 0 : i32
    return %c0_i32, %c0_i32_0 : i32, i32
  }
  func.func @transform_5(%arg0: i32) -> (i32, i32) {
    %c0_i32 = arith.constant 0 : i32
    %c0_i32_0 = arith.constant 0 : i32
    %c0_i32_1 = arith.constant 0 : i32
    return %c0_i32, %c0_i32_0 : i32, i32
  }
  func.func @transform_6(%arg0: i32) -> (i32, i32) {
    %c0_i32 = arith.constant 0 : i32
    %c0_i32_0 = arith.constant 0 : i32
    %c0_i32_1 = arith.constant 0 : i32
    return %c0_i32, %c0_i32_0 : i32, i32
  }
  func.func @transform_7(%arg0: i32) -> (i32, i32) {
    %c0_i32 = arith.constant 0 : i32
    %c0_i32_0 = arith.constant 0 : i32
    %c0_i32_1 = arith.constant 0 : i32
    return %c0_i32, %c0_i32_0 : i32, i32
  }
}

</mosaic_0001>

<sc_bundles>
// kernel: kernel.5.cloned.1.call-start
scs
__scs_entry_jumppad:
0x0: {  	(pc) =	sbr.rel $0x88, $3  }
0x1: {  	(tag) =	ssettag $0x0;
	lr =	simm.s32 $0x1  }
0x2: {  	[smem:$0x3F9C] =	sst lr;
	_ =	strace $0xD0000000  }
0x3: {  	_ = 	snop  }
0x4: {  	_ = 	snop  }
0x5: {  	_ = 	snop  }
0x6: {  	_ = 	snop  }
0x7: {  	_ = 	snop  }
__scs_overlays_trampoline_lowered:
0x8: {  	[smem:$0x3FAB] =	sst s0  }
0x9: {  	[smem:$0x3FAC] =	sst s1  }
0xa: {  	[smem:$0x3FAD] =	sst s2  }
0xb: {  	[smem:$0x3FAE] =	sst s3  }
0xc: {  	[smem:$0x3FAF] =	sst s4  }
0xd: {  	[smem:$0x3FB0] =	sst s5  }
0xe: {  	[smem:$0x3FB1] =	sst s6  }
0xf: {  	[smem:$0x3FB2] =	sst s7  }
0x10: {  	[smem:$0x3FB3] =	sst s8  }
0x11: {  	[smem:$0x3FB4] =	sst s9;
	s0 =	simm.s32 @!p0 $0x0  }
0x12: {  	s1 =	sld [smem:$0x3F9A];
	s0 =	simm.s32 @p0 $0x1  }
0x13: {  	[smem:$0x3FB5] =	sst s0;
	s0 =	simm.s32 @!p1 $0x0  }
0x14: {  	s2 =	sld [smem:$0x3F99];
	s0 =	simm.s32 @p1 $0x1  }
0x15: {  	[smem:$0x3FB6] =	sst s0;
	s0 =	simm.s32 @!p2 $0x0  }
0x16: {  	s3 =	sld [smem:$0x3FDB];
	s0 =	simm.s32 @p2 $0x1  }
0x17: {  	s4 =	simm.s32 $0x1BF5;
	[smem:$0x3FB8] =	sst s0  }
0x18: {  	s0 =	sld [smem:$0x3F9B];
	_ =	swait.ge [sflag:s4], $0x0  }
0x19: {  	s7 =	sld [smem:$0x3F9C]  }
0x1a: {  	s8 =	sadd.s32 $0xFFFFE003, lr  }
0x1b: {  	s9 =	sadd.s32 $0xFFFFFEF7, lr;
	s5 =	simm.s32 $0xFFFFFFFF;
	p2 =	slt.u32 s8, $0xFFFFF086  }
0x1c: {  	p1 =	slt.u32 s9, $0xF7A;
	s5 =	simm.s32 @!p2 $0x0  }
0x1d: {  	s5 =	simm.s32 @p1 $0x1;
	p0 =	seq.s32 s7, s2  }
0x1e: {  	s7 =	smul.u32 @!p0 $0xF7A, s2;
	p2 =	seq.s32 @!p0 s5, $0x0  }
0x1f: {  	s9 =	smul.u32 $0xF7A, s1;
	s8 =	simm.s32 @!p0 $0x1BF5;
	p2 =	por !p2, p0  }
0x20: {  	[sflag:s8] =	ssyncset.s32 @!p0 $0xFFFFF086;
	s6 =	sadd.s32 @!p0 s3, s7;
	s7 =	simm.s32 @!p0 $0x108  }
0x21: {  	s3 =	sadd.s32 s3, s9;
	s6 =	sadd.s32 @!p0 $0x88, s6;
	s7 =	simm.s32 @p2 $0x1082  }
0x22: {  	[simem:s7], [sflag:s8] =	dma.local @!p0 [hbm:s6], $0xF7A  }
0x23: {  	s9 =	sor.u32 $0xD0000000, s2;
	s6 =	simm.s32 $0x108;
	_ =	swait.ge @!p0 [sflag:s8], $0x0  }
0x24: {  	s3 =	sadd.s32 $0x88, s3;
	s6 =	simm.s32 @!p1 $0x1082;
	[sflag:s4] =	ssyncset.s32 $0xFFFFF086  }
0x25: {  	[simem:s6], [sflag:s4] =	dma.local [hbm:s3], $0xF7A  }
0x26: {  	[smem:$0x3F9C] =	sst s1;
	(tag) =	ssettag s2;
	_ =	strace s9  }
0x27: {  	s1 =	sld [smem:$0x3FAC]  }
0x28: {  	s2 =	sld [smem:$0x3FAD]  }
0x29: {  	s4 =	sld [smem:$0x3FAF]  }
0x2a: {  	p0 =	seq.s32 s5, $0x0;
	s5 =	sld [smem:$0x3FB0]  }
0x2b: {  	s6 =	sld [smem:$0x3FB1]  }
0x2c: {  	s7 =	sld [smem:$0x3FB2]  }
0x2d: {  	s3 =	simm.s32 $0x108;
	s8 =	sld [smem:$0x3FB3]  }
0x2e: {  	s3 =	simm.s32 @!p0 $0x1082;
	s9 =	sld [smem:$0x3FB4]  }
0x2f: {  	lr =	sadd.s32 s0, s3;
	s0 =	sld [smem:$0x3FAB]  }
0x30: {  	s3 =	sld [smem:$0x3FAE]  }
0x31: {  	[smem:$0x3FB7] =	sst s10  }
0x32: {  	s10 =	sld [smem:$0x3FB5];
	_ =	sdelay $0x3  }
0x33: {  	p0 =	seq.s32 s10, $0x1;
	s10 =	sld [smem:$0x3FB7];
	_ =	sdelay $0x3  }
0x34: {  	[smem:$0x3FB7] =	sst s10  }
0x35: {  	s10 =	sld [smem:$0x3FB6];
	_ =	sdelay $0x3  }
0x36: {  	p1 =	seq.s32 s10, $0x1;
	s10 =	sld [smem:$0x3FB7];
	_ =	sdelay $0x3  }
0x37: {  	[smem:$0x3FB7] =	sst s10  }
0x38: {  	s10 =	sld [smem:$0x3FB8]  }
0x39: {  	_ = 	snop;
	(pc) =	sbr.ind lr, $3  }
0x3a: {  	_ = 	snop  }
0x3b: {  	_ = 	snop  }
0x3c: {  	p2 =	seq.s32 s10, $0x1;
	s10 =	sld [smem:$0x3FB7]  }
0x3d: {  	_ =	shalt  }
0x3e: {  	_ =	shalt  }
0x3f: {  	_ =	shalt  }
0x40: {  	_ =	shalt  }
0x41: {  	_ =	shalt  }
0x42: {  	_ =	shalt  }
0x43: {  	_ =	shalt  }
0x44: {  	_ =	shalt  }
0x45: {  	_ =	shalt  }
0x46: {  	_ =	shalt  }
0x47: {  	_ =	shalt  }
0x48: {  	_ =	shalt  }
0x49: {  	_ =	shalt  }
0x4a: {  	_ =	shalt  }
0x4b: {  	_ =	shalt  }
0x4c: {  	_ =	shalt  }
0x4d: {  	_ =	shalt  }
0x4e: {  	_ =	shalt  }
0x4f: {  	_ =	shalt  }
0x50: {  	_ =	shalt  }
0x51: {  	_ =	shalt  }
0x52: {  	_ =	shalt  }
0x53: {  	_ =	shalt  }
0x54: {  	_ =	shalt  }
0x55: {  	_ =	shalt  }
0x56: {  	_ =	shalt  }
0x57: {  	_ =	shalt  }
0x58: {  	_ =	shalt  }
0x59: {  	_ =	shalt  }
0x5a: {  	_ =	shalt  }
0x5b: {  	_ =	shalt  }
0x5c: {  	_ =	shalt  }
0x5d: {  	_ =	shalt  }
0x5e: {  	_ =	shalt  }
0x5f: {  	_ =	shalt  }
0x60: {  	_ =	shalt  }
0x61: {  	_ =	shalt  }
0x62: {  	_ =	shalt  }
0x63: {  	_ =	shalt  }
0x64: {  	_ =	shalt  }
0x65: {  	_ =	shalt  }
0x66: {  	_ =	shalt  }
0x67: {  	_ =	shalt  }
0x68: {  	_ =	shalt  }
0x69: {  	_ =	shalt  }
0x6a: {  	_ =	shalt  }
0x6b: {  	_ =	shalt  }
0x6c: {  	_ =	shalt  }
0x6d: {  	_ =	shalt  }
0x6e: {  	_ =	shalt  }
0x6f: {  	_ =	shalt  }
0x70: {  	_ =	shalt  }
0x71: {  	_ =	shalt  }
0x72: {  	_ =	shalt  }
0x73: {  	_ =	shalt  }
0x74: {  	_ =	shalt  }
0x75: {  	_ =	shalt  }
0x76: {  	_ =	shalt  }
0x77: {  	_ =	shalt  }
0x78: {  	_ =	shalt  }
0x79: {  	_ =	shalt  }
0x7a: {  	_ =	shalt  }
0x7b: {  	_ =	shalt  }
0x7c: {  	_ =	shalt  }
0x7d: {  	_ =	shalt  }
0x7e: {  	_ =	shalt  }
0x7f: {  	_ =	shalt  }
0x80: {  	_ =	shalt  }
0x81: {  	_ =	shalt  }
0x82: {  	_ =	shalt  }
0x83: {  	_ =	shalt  }
0x84: {  	_ =	shalt  }
0x85: {  	_ =	shalt  }
0x86: {  	_ =	shalt  }
0x87: {  	_ =	shalt  }
.Lfunc_end0:
.L_simem_size_0:
called_computation_lowered:
.L_overlay_start_0:
0x88: {  	s2 =	sld [smem:$0x3FD9]  }
0x89: {  	s3 =	sld [smem:$0x3FFE];
	_ =	sdelay $0x1  }
0x8a: {  	s1 =	srdreg.scid  }
0x8b: {  	s0 =	sand.u32 $0x1, s1  }
0x8c: {  	s17 =	sshll.u32 s0, $0xA;
	s2 =	sadd.s32 s3, s2  }
0x8d: {  	s2 =	sadd.s32 s2, s17  }
0x8e: {  	[smem:$0x3FC3] =	sst s2  }
0x8f: {  	_ = 	snop  }
0x90: {  	s2 =	sld [smem:$0x3FC9];
	(tm) =	ssettm $0x1  }
0x91: {  	s18 =	sld [smem:$0x3FFB];
	_ =	sdelay $0x3  }
0x92: {  	_ =	strace s18  }
0x93: {  	s3 =	sld [smem:$0x3FFC];
	_ =	sdelay $0x3  }
0x94: {  	_ =	strace s3  }
0x95: {  	s3 =	sld [smem:$0x3FFD];
	_ =	sdelay $0x3  }
0x96: {  	_ =	strace s3  }
0x97: {  	_ =	strace $0x8FFFFFFF  }
0x98: {  	s19 =	sld [smem:$0x3FDB];
	_ =	sdelay $0x1  }
0x99: {  	s4 =	simm.s32 $_scs_section_size  }
0x9a: {  	s5 =	simm.s32 $_size__tile_overlayer_lowered;
	s6 =	simm.s32 $_tile_overlayer_lowered  }
0x9b: {  	s22 =	simm.s32 $0x1BFF;
	s21 =	sshll.u32 s6, $0x1;
	s3 =	sadd.s32 s4, s19  }
0x9c: {  	s7 =	simm.s32 $0x0;
	s20 =	sshll.u32 s5, $0x1;
	s5 =	sadd.s32 s21, s3  }
0x9d: {  	[timem:s7], [sflag:s22] =	dma.local [hbm:s5], s20  }
0x9e: {  	_ =	swait.ge [sflag:s22], s20  }
0x9f: {  	s4 =	ssub.s32 $0x0, s20;
	[sflag:s22] =	ssyncset.done $0x0  }
0xa0: {  	[sflag:s22] =	ssyncadd.s32 s4;
	_ =	sdelay $0x1  }
0xa1: {  	s23 =	simm.s32 $0x1B8B  }
0xa2: {  	_ =	swait.ge [sflag:s23], $0x1  }
0xa3: {  	[sflag:s23] =	ssyncset.done $0x0  }
0xa4: {  	s25 =	simm.s32 $0x1B8E;
	s24 =	sld [smem:$0x3FFE];
	[sflag:s23] =	ssyncadd.s32 $0xFFFFFFFF  }
0xa5: {  	s26 =	simm.s32 $execute0_lowered;
	[smem:$0x3FD2] =	sst s25  }
0xa6: {  	s5 =	sshll.u32 s26, $0x1;
	_ =	strace $0x80000046;
	[dreg:$0x1] =	wrdreg $0xFFFFFFFF  }
0xa7: {  	s28 =	simm.s32 $_size_execute0_lowered;
	s3 =	sadd.s32 s3, s5;
	[dreg:$0x0] =	wrdreg $0x0  }
0xa8: {  	s5 =	sshll.u32 s28, $0x1;
	[dreg:$0x2] =	wrdreg s3  }
0xa9: {  	[dreg:$0x3] =	wrdreg s5  }
0xaa: {  	[dreg:$0x4] =	wrdreg $0xC0  }
0xab: {  	_ =	task [dreg:s7], $0x5FFFF  }
0xac: {  	[dreg:$0x1] =	wrdreg $0xFFFFFFFF  }
0xad: {  	[dreg:$0x0] =	wrdreg $0x60  }
0xae: {  	[dreg:$0x2] =	wrdreg s2  }
0xaf: {  	[dreg:$0x3] =	wrdreg s24  }
0xb0: {  	[dreg:$0x4] =	wrdreg $0x9  }
0xb1: {  	_ =	task.clear_ibuf [dreg:s7], $0x5FFFF;
	_ =	strace $0x90000046  }
0xb2: {  	s29 =	simm.s32 $0x9;
	_ =	strace $0x8000004F  }
0xb3: {  	_ =	swait.ge [sflag:s29], $0x1  }
0xb4: {  	[sflag:s29] =	ssyncadd.s32 $0xFFFFFFFF  }
0xb5: {  	_ =	strace $0x9000004F  }
0xb6: {  	_ =	sfence  }
0xb7: {  	s30 =	sld [smem:$0x0];
	_ =	sdelay $0x2  }
0xb8: {  	s31 =	sshll.u32 s1, $0xD;
	s1 =	sshrl.u32 s1, $0x2  }
0xb9: {  	s3 =	sand.u32 $0x4000, s31;
	s1 =	sadd.s32 s1, s30  }
0xba: {  	s0 =	sor.u32 s3, s0;
	s1 =	sshll.u32 s1, $0x11  }
0xbb: {  	s0 =	sor.u32 s1, s0  }
0xbc: {  	s0 =	sadd.s32 $0x8F2B, s0  }
0xbd: {  	[sflag:s0] =	ssyncadd.remote.s32 $0x1  }
0xbe: {  	_ =	sfence.sel $0xFFFF  }
0xbf: {  	[dreg:$0x0] =	wrdreg $0xFFFFFFFF;
	(pc) =	sbr.abs _section_cstart, $3  }
0xc0: {  	[dreg:$0x1] =	wrdreg $0xFFFFFFFF  }
0xc1: {  	_ =	task.clear_ibuf [dreg:s7], $0x2FFFF;
	_ =	strace $0x9FFFFFFF  }
0xc2: {  	(tm) =	ssettm $0x7FFFFFFF  }
0xc3: {  	_ =	shalt  }
tec
execute0_lowered:
.L_overlay_start_1:
0x0: {  	(tag) =	ssettag $0x1  }
0x1: {  	s1 =	srdreg.scid;
	s2 =	rddreg [dreg:$0x0]  }
0x2: {  	s0 =	stileid.u32;
	s6 =	rddreg [dreg:$0x1]  }
0x3: {  	s3 =	simm.s32 $0x0;
	s5 =	sand.u32 $0x1, s1;
	s1 =	rddreg [dreg:$0x2]  }
0x4: {  	s7 =	sshll.u32 s0, $0x2;
	[smem:$0x7FF] =	sst s3;
	s4 =	sshll.u32 s5, $0x6  }
0x5: {  	s30 =	ssub.s32 $0x2, s5;
	_ =	strace $0x80000047;
	s4 =	sor.u32 s7, s4  }
0x6: {  	s5 =	sadd.s32 $0x1E00, s6;
	s8 =	sshrl.u32 s30, $0x1;
	s31 =	sshll.u32 s4, $0xC  }
0x7: {  	s7 =	ssub.s32 s30, s8;
	s8 =	simm.s32 $0x4;
	s9 =	sadd.s32 s31, s2  }
0x8: {  	s7 =	smax.u32 s7, $0x1;
	s6 =	sadd.s32 $0x180000, s9;
	s9 =	simm.s32 $0x0  }
.LBB2_1:
0x9: {  	_ =	strace $0x80000048;
	s10 =	simm.s32 $0x0  }
0xa: {  	s11 =	simm.s32 $0x0;
	s12 =	simm.s32 $0x0;
	s13 =	simm.s32 $0x0  }
0xb: {  	[tilespmem:s3], [sflag:$0x1] =	stream.linear.gather [hbm4b:s6+s3], $0x8000, $0x200038;
	[tilespmem:$0x11000] =	vst v63  }
0xc: {  	s14 =	simm.s32 $0x1;
	s15 =	simm.s32 $0x0;
	_ =	strace $0x90000048  }
.LBB2_2:
0xd: {  	s17 =	smov.u32 s10;
	s10 =	sadd.s32 $0x1, s10  }
0xe: {  	p0 =	seq.s32 s10, $0x4  }
0xf: {  	s10 =	simm.s32 @p0 $0x0  }
0x10: {  	p6 =	sne.s32 s15, $0x3;
	p1 =	sne.s32 s17, s10  }
0x11: {  	p0 =	por !p6, !p1  }
0x12: {  	p0 =	por !p0, !p0  }
0x13: {  	s16 =	sadd.s32 @p0 s4, s10  }
0x14: {  	s16 =	sshll.u32 @p0 s16, $0xF  }
0x15: {  	s18 =	sand.u32 @p0 $0x1, s14;
	s16 =	sadd.s32 @p0 $0xC00000, s16  }
0x16: {  	_ =	strace @p0 $0x80000049;
	s20 =	simm.s32 @p0 $0x0;
	s16 =	sshrl.u32 @p0 s16, $0x3  }
0x17: {  	s19 =	sshll.u32 @p0 s18, $0xF;
	s18 =	sadd.s32 @p0 $0x1, s18;
	s16 =	sadd.s32 @p0 s2, s16  }
0x18: {  	[tilespmem:s19], [sflag:s18] =	stream.linear.gather @p0 [hbm4b:s16+s20], $0x8000, $0x200038;
	[tilespmem:$0x11000] =	vst v63  }
0x19: {  	s24 =	sand.u32 $0x1, s13;
	_ =	strace @p0 $0x90000049  }
0x1a: {  	s16 =	sadd.s32 $0x1, s24;
	_ =	strace $0x8000004A  }
0x1b: {  	_ =	swait.ge [sflag:s16], $0x8000  }
0x1c: {  	s25 =	sshll.u32 s13, $0xF;
	s26 =	simm.s32 $0x0;
	[sflag:s16] =	ssyncset.done $0x0  }
0x1d: {  	s28 =	sand.u32 $0x3C00, s26;
	s19 =	sand.u32 $0x8000, s25;
	[sflag:s16] =	ssyncadd.s32 $0xFFFF8000  }
0x1e: {  	s29 =	sand.u32 $0x70, s26;
	s16 =	sadd.s32 s28, s19;
	_ =	strace $0x9000004A  }
0x1f: {  	s16 =	sadd.s32 s29, s16;
	_ =	strace $0x8000004B  }
0x20: {  	v0 =	vld [tilespmem:s16+$0x80]  }
0x21: {  	v1 =	vld [tilespmem:s16+$0x0];
	_ =	sdelay $0x1  }
0x22: {  	v2 =	vld [tilespmem:s16+$0x100];
	_ =	sdelay $0x1  }
0x23: {  	v3 =	vld [tilespmem:s16+$0x180]  }
0x24: {  	v0 =	vadd.f32 v0, v1  }
0x25: {  	v1 =	vld [tilespmem:s16+$0x200]  }
0x26: {  	v0 =	vadd.f32 v2, v0  }
0x27: {  	v2 =	vld [tilespmem:s16+$0x280]  }
0x28: {  	v0 =	vadd.f32 v3, v0  }
0x29: {  	v3 =	vld [tilespmem:s16+$0x300]  }
0x2a: {  	v0 =	vadd.f32 v1, v0  }
0x2b: {  	v1 =	vld [tilespmem:s16+$0x380]  }
0x2c: {  	v0 =	vadd.f32 v2, v0  }
0x2d: {  	v2 =	vld [tilespmem:s16+$0x4000]  }
0x2e: {  	v0 =	vadd.f32 v3, v0  }
0x2f: {  	v3 =	vld [tilespmem:s16+$0x4080]  }
0x30: {  	v0 =	vadd.f32 v1, v0  }
0x31: {  	v1 =	vld [tilespmem:s16+$0x4100]  }
0x32: {  	v0 =	vadd.f32 v2, v0  }
0x33: {  	v2 =	vld [tilespmem:s16+$0x4180]  }
0x34: {  	v0 =	vadd.f32 v3, v0  }
0x35: {  	v3 =	vld [tilespmem:s16+$0x4200]  }
0x36: {  	v0 =	vadd.f32 v1, v0  }
0x37: {  	v1 =	vld [tilespmem:s16+$0x4280]  }
0x38: {  	v0 =	vadd.f32 v2, v0  }
0x39: {  	v2 =	vld [tilespmem:s16+$0x4300]  }
0x3a: {  	v0 =	vadd.f32 v3, v0  }
0x3b: {  	v3 =	vld [tilespmem:s16+$0x4380]  }
0x3c: {  	v0 =	vadd.f32 v1, v0;
	_ =	sdelay $0x1  }
0x3d: {  	s21 =	simm.s32 $0x80;
	s16 =	sand.u32 $0x1, s12;
	v0 =	vadd.f32 v2, v0  }
0x3e: {  	s31 =	simm.s32 $0x10;
	s22 =	sand.u32 $0x3C00, s21;
	s30 =	sshll.u32 s16, $0xB  }
0x3f: {  	s23 =	sand.u32 $0x70, s31;
	s18 =	sadd.s32 s4, s17;
	s17 =	sor.u32 $0x10000, s30;
	v0 =	vadd.f32 v3, v0  }
0x40: {  	s24 =	sadd.s32 s22, s19;
	s22 =	simm.s32 $0x20;
	s20 =	smov.u32 s17  }
.LBB2_3:
0x41: {  	p2 =	sne.s32 s22, $0x7F0;
	s23 =	sadd.s32 s23, s24;
	[tilespmem:s20+$0x0] =	vst v0  }
0x42: {  	v0 =	vld [tilespmem:s23+$0x80]  }
0x43: {  	v1 =	vld [tilespmem:s23+$0x0];
	_ =	sdelay $0x1  }
0x44: {  	v2 =	vld [tilespmem:s23+$0x100];
	_ =	sdelay $0x1  }
0x45: {  	v3 =	vld [tilespmem:s23+$0x180]  }
0x46: {  	v0 =	vadd.f32 v0, v1  }
0x47: {  	v1 =	vld [tilespmem:s23+$0x200]  }
0x48: {  	v0 =	vadd.f32 v2, v0  }
0x49: {  	v2 =	vld [tilespmem:s23+$0x280]  }
0x4a: {  	v0 =	vadd.f32 v3, v0  }
0x4b: {  	v3 =	vld [tilespmem:s23+$0x300]  }
0x4c: {  	v0 =	vadd.f32 v1, v0  }
0x4d: {  	v1 =	vld [tilespmem:s23+$0x380]  }
0x4e: {  	v0 =	vadd.f32 v2, v0  }
0x4f: {  	v2 =	vld [tilespmem:s23+$0x4000]  }
0x50: {  	v0 =	vadd.f32 v3, v0  }
0x51: {  	v3 =	vld [tilespmem:s23+$0x4080]  }
0x52: {  	v0 =	vadd.f32 v1, v0  }
0x53: {  	v1 =	vld [tilespmem:s23+$0x4100]  }
0x54: {  	v0 =	vadd.f32 v2, v0  }
0x55: {  	v2 =	vld [tilespmem:s23+$0x4180]  }
0x56: {  	v0 =	vadd.f32 v3, v0  }
0x57: {  	v3 =	vld [tilespmem:s23+$0x4200]  }
0x58: {  	v0 =	vadd.f32 v1, v0  }
0x59: {  	v1 =	vld [tilespmem:s23+$0x4280]  }
0x5a: {  	v0 =	vadd.f32 v2, v0  }
0x5b: {  	v2 =	vld [tilespmem:s23+$0x4300]  }
0x5c: {  	v0 =	vadd.f32 v3, v0  }
0x5d: {  	v3 =	vld [tilespmem:s23+$0x4380]  }
0x5e: {  	v0 =	vadd.f32 v1, v0  }
.Ltmp0:
0x5f: {  	(pc) =	sbr.rel @p2 .LBB2_3-.Ltmp0, $4  }
0x60: {  	v0 =	vadd.f32 v2, v0  }
0x61: {  	s21 =	sadd.s32 $0x80, s21  }
0x62: {  	s20 =	sadd.s32 $0x10, s20;
	s24 =	sand.u32 $0x3C00, s21;
	v0 =	vadd.f32 v3, v0  }
0x63: {  	s24 =	sadd.s32 s24, s19;
	s23 =	sand.u32 $0x70, s22;
	s22 =	sadd.s32 $0x10, s22  }
0x64: {  	s19 =	sadd.s32 s23, s24;
	[tilespmem:s20+$0x0] =	vst v0  }
0x65: {  	v0 =	vld [tilespmem:s19+$0x80]  }
0x66: {  	v1 =	vld [tilespmem:s19+$0x0];
	_ =	sdelay $0x1  }
0x67: {  	v2 =	vld [tilespmem:s19+$0x100];
	_ =	sdelay $0x1  }
0x68: {  	v3 =	vld [tilespmem:s19+$0x180]  }
0x69: {  	v0 =	vadd.f32 v0, v1  }
0x6a: {  	v52 =	vld [tilespmem:s19+$0x200]  }
0x6b: {  	v0 =	vadd.f32 v2, v0  }
0x6c: {  	v53 =	vld [tilespmem:s19+$0x280]  }
0x6d: {  	v0 =	vadd.f32 v3, v0  }
0x6e: {  	v54 =	vld [tilespmem:s19+$0x300]  }
0x6f: {  	v0 =	vadd.f32 v52, v0  }
0x70: {  	v55 =	vld [tilespmem:s19+$0x380]  }
0x71: {  	v0 =	vadd.f32 v53, v0  }
0x72: {  	v56 =	vld [tilespmem:s19+$0x4000]  }
0x73: {  	v0 =	vadd.f32 v54, v0  }
0x74: {  	v57 =	vld [tilespmem:s19+$0x4080]  }
0x75: {  	v0 =	vadd.f32 v55, v0  }
0x76: {  	v58 =	vld [tilespmem:s19+$0x4100]  }
0x77: {  	v0 =	vadd.f32 v56, v0  }
0x78: {  	v59 =	vld [tilespmem:s19+$0x4180]  }
0x79: {  	v0 =	vadd.f32 v57, v0  }
0x7a: {  	v60 =	vld [tilespmem:s19+$0x4200]  }
0x7b: {  	v0 =	vadd.f32 v58, v0  }
0x7c: {  	v61 =	vld [tilespmem:s19+$0x4280]  }
0x7d: {  	v0 =	vadd.f32 v59, v0  }
0x7e: {  	v62 =	vld [tilespmem:s19+$0x4300]  }
0x7f: {  	v0 =	vadd.f32 v60, v0  }
0x80: {  	v63 =	vld [tilespmem:s19+$0x4380]  }
0x81: {  	v0 =	vadd.f32 v61, v0;
	_ =	sdelay $0x1  }
0x82: {  	p2 =	seq.s32 s15, $0x3;
	v0 =	vadd.f32 v62, v0  }
0x83: {  	s31 =	sadd.s32 $0x10, s20;
	p1 =	por p2, p1  }
0x84: {  	s19 =	simm.s32 $0x1;
	s20 =	sshll.u32 @p1 s18, $0xB;
	s18 =	sshll.u32 @p1 s18, $0x7;
	v0 =	vadd.f32 v63, v0  }
0x85: {  	s19 =	simm.s32 @!p0 $0x0;
	s20 =	sand.u32 @p1 $0xFFFFC000, s20;
	s18 =	sand.u32 @p1 $0x380, s18  }
0x86: {  	s16 =	sadd.s32 @p1 $0x3, s16;
	s21 =	simm.s32 @p1 $0x400;
	s18 =	sor.u32 @p1 s18, s20;
	[tilespmem:s31+$0x0] =	vst v0  }
0x87: {  	p0 =	seq.s32 s15, $0x0;
	s18 =	sshrl.u32 @p1 s18, $0x3;
	_ =	strace $0x9000004B  }
0x88: {  	s20 =	simm.s32 @p1 $0x80;
	s18 =	sadd.s32 @p1 s5, s18;
	_ =	strace @p1 $0x8000004C  }
0x89: {  	[hbm4b:s18+s20] =	stream.strided.scatter @p1 [tilespmem:s17], [sflag:s16], $0x800, s21, s20, $0x200038;
	[tilespmem:$0x11000] =	vst v63  }
0x8a: {  	s16 =	simm.s32 $0x1;
	s18 =	simm.s32 $0x1;
	_ =	strace @p1 $0x9000004C  }
0x8b: {  	s16 =	simm.s32 @!p1 $0x0;
	p1 =	sne.s32 s15, $0x0;
	s15 =	sadd.s32 $0x1, s15  }
0x8c: {  	s17 =	sand.u32 @!p0 $0x1, s11;
	s18 =	simm.s32 @!p1 $0x0;
	p1 =	sne.s32 s15, $0x4  }
.Ltmp1:
0x8d: {  	s17 =	sadd.s32 @!p0 $0x3, s17;
	_ =	strace @!p0 $0x8000004D;
	(pc) =	sbr.rel @p1 .LBB2_2-.Ltmp1, $4  }
0x8e: {  	_ =	swait.ge @!p0 [sflag:s17], $0x800  }
0x8f: {  	[sflag:s17] =	ssyncset.done @!p0 $0x0  }
0x90: {  	s14 =	sadd.s32 s19, s14;
	s12 =	sadd.s32 s16, s12;
	[sflag:s17] =	ssyncadd.s32 @!p0 $0xFFFFF800  }
0x91: {  	s13 =	sadd.s32 s16, s13;
	s11 =	sadd.s32 s18, s11;
	_ =	strace @!p0 $0x9000004D  }
0x92: {  	s9 =	sadd.s32 $0x1, s9  }
0x93: {  	p0 =	sne.s32 s9, s7  }
.Ltmp2:
0x94: {  	_ =	strace $0x8000004E;
	(pc) =	sbr.rel @p0 .LBB2_1-.Ltmp2, $4  }
0x95: {  	_ =	swait.ge [sflag:s8], $0x800  }
0x96: {  	[sflag:s8] =	ssyncset.done $0x0  }
0x97: {  	[sflag:s8] =	ssyncadd.s32 $0xFFFFF800  }
0x98: {  	_ =	strace $0x9000004E  }
0x99: {  	_ =	sfence.sel $0x180000  }
0x9a: {  	[bflag:$0x0] =	sbarrier.arrive $0xFFFF  }
0x9b: {  	p0 =	sne.s32 s0, $0x0;
	_ =	strace $0x90000047  }
0x9c: {  	s0 =	sadd.s32 @!p0 $0x100000, s1;
	[bflag:$0x2] =	sbarrier.arrive $0xFFFF  }
0x9d: {  	[sflag:s0] =	ssyncadd.tile.s32 @!p0 $0x1;
	_ =	shalt  }
.Lfunc_end2:
_tile_overlayer_lowered:
.L_overlay_start_2:
0x9e: {  	(tag) =	ssettag $0x2  }
0x9f: {  	s0 =	rddreg [dreg:$0x0];
	s2 =	stileid.u32  }
0xa0: {  	s1 =	rddreg [dreg:$0x1];
	p0 =	sne.s32 s2, $0x0  }
0xa1: {  	s3 =	rddreg [dreg:$0x2];
	[bflag:$0x3] =	sbarrier.arrive $0xFFFF;
	s2 =	simm.s32 @!p0 $0x1C01  }
0xa2: {  	[timem:s3], [sflag:s2] =	dma.local @!p0 [hbm:s0], s1  }
0xa3: {  	s0 =	simm.s32 @!p0 $0x1  }
0xa4: {  	_ =	swait.ge @!p0 [sflag:s0], s1  }
0xa5: {  	s1 =	ssub.s32 @!p0 $0x0, s1;
	[sflag:s0] =	ssyncset.done @!p0 $0x0  }
0xa6: {  	[sflag:s0] =	ssyncadd.s32 @!p0 s1  }
0xa7: {  	[bflag:$0x3] =	sbarrier.arrive $0xFFFF  }
0xa8: {  	_ =	shalt  }

</sc_bundles>
